<compile_context>
chip_gen: v7x
topology: tpu7x:2x2x1
jax: 0.10.2.dev20260603
libtpu: 0.0.44.dev20260713+nightly
codegen_flags: <defaults>
</compile_context>

<pallas_src>
import functools

import jax
import jax.numpy as jnp
from jax import lax
from jax.experimental import pallas as pl
from jax.experimental.pallas import tpu as pltpu
from jax.experimental.pallas import tpu_sc as plsc

SHIFT = 18
NVB = 4096
NSLOT = 4 * NVB
NW = 32
HB = 32


def _codes_body(pred_ref, tgt_ref, out_ref):
    x = pred_ref[...]
    t = tgt_ref[...]
    c = x.shape[1]
    m = jnp.max(x, axis=1, keepdims=True)
    ex = jnp.exp(x - m)
    z = jnp.sum(ex, axis=1, keepdims=True)
    p = ex / z
    cls = lax.broadcasted_iota(jnp.int32, (1, c, 1, 1), 1)
    fg = t[:, None, :, :] == cls
    e = jnp.where(fg, 1.0 - p, p)
    code = lax.bitcast_convert_type(e, jnp.int32)
    v = code | (fg.astype(jnp.int32) << 30)
    out_ref[...] = v.reshape(out_ref.shape)


def _tc_codes(pred, target):
    b, c, h, w = pred.shape
    grid = (b, h // HB)
    return pl.pallas_call(
        _codes_body,
        grid=grid,
        in_specs=[
            pl.BlockSpec((1, c, HB, w), lambda i, j: (i, 0, j, 0)),
            pl.BlockSpec((1, HB, w), lambda i, j: (i, j, 0)),
        ],
        out_specs=pl.BlockSpec((c, 1, HB, w), lambda i, j: (0, i, j, 0)),
        out_shape=jax.ShapeDtypeStruct((c, b, h, w), jnp.int32),
    )(pred, target)


def _sc_hist(codes, n_cls, n_per_w):
    _, nb, nh, w = codes.shape
    rows_per_w = nh // (NW // nb)
    mesh = plsc.VectorSubcoreMesh(core_axis_name="c", subcore_axis_name="s")

    @functools.partial(
        pl.kernel,
        mesh=mesh,
        compiler_params=pltpu.CompilerParams(
            needs_layout_passes=False, use_tc_tiling_on_sc=True),
        out_type=jax.ShapeDtypeStruct((n_cls, NW, NSLOT), jnp.float32),
        scratch_types=[
            pltpu.VMEM((2 * NVB,), jnp.float32),
            pltpu.VMEM((2 * NVB,), jnp.float32),
            pltpu.VMEM((2 * NVB,), jnp.float32),
            pltpu.VMEM((2 * NVB,), jnp.float32),
            pltpu.VMEM((rows_per_w, 512), jnp.int32),
            pltpu.VMEM((rows_per_w, 512), jnp.int32),
            pltpu.SemaphoreType.DMA,
            pltpu.SemaphoreType.DMA,
            pltpu.SemaphoreType.DMA,
            pltpu.SemaphoreType.DMA,
        ],
    )
    def hist_kernel(codes_hbm, out_hbm, cnt_a, cnt_b, dsum_a, dsum_b,
                    buf_a, buf_b, sem_in_a, sem_in_b, sem_dr_a, sem_dr_b):
        wid = lax.axis_index("s") * 2 + lax.axis_index("c")
        bidx = wid // (NW // nb)
        h0 = (wid % (NW // nb)) * rows_per_w
        ones = jnp.ones((16,), jnp.float32)

        def fetch(cls, buf, sem):
            pltpu.async_copy(
                codes_hbm.at[cls, bidx, pl.ds(h0, rows_per_w)], buf, sem)

        def wait_fetch(buf, sem):
            pltpu.make_async_copy(
                codes_hbm.at[0, 0, pl.ds(0, rows_per_w)], buf, sem).wait()

        def wait_drain(cnt, dsum, sem):
            pltpu.make_async_copy(
                cnt, out_hbm.at[0, 0, pl.ds(0, 2 * NVB)], sem).wait()
            pltpu.make_async_copy(
                dsum, out_hbm.at[0, 0, pl.ds(0, 2 * NVB)], sem).wait()

        def do_class(cls, buf, cnt, dsum, sem_dr):
            def zero_body(i, _):
                z = jnp.zeros((16,), jnp.float32)
                cnt[pl.ds(i * 16, 16)] = z
                dsum[pl.ds(i * 16, 16)] = z
                return 0

            lax.fori_loop(0, 2 * NVB // 16, zero_body, 0, unroll=8)

            def elem_body(i, _):
                r = i // 4
                c0 = (i % 4) * 128
                vs = [buf[r, pl.ds(c0 + j * 16, 16)] for j in range(8)]
                idxs = [lax.shift_right_logical(v, SHIFT) for v in vs]
                ds = [jnp.bitwise_and(v, (1 << SHIFT) - 1).astype(jnp.float32)
                      for v in vs]
                for j in range(8):
                    plsc.addupdate_scatter(cnt, [idxs[j]], ones)
                for j in range(8):
                    plsc.addupdate_scatter(dsum, [idxs[j]], ds[j])
                return 0

            lax.fori_loop(0, rows_per_w * 4, elem_body, 0)
            pltpu.async_copy(cnt, out_hbm.at[cls, wid, pl.ds(0, 2 * NVB)],
                             sem_dr)
            pltpu.async_copy(dsum, out_hbm.at[cls, wid, pl.ds(2 * NVB, 2 * NVB)],
                             sem_dr)

        fetch(0, buf_a, sem_in_a)

        def pair_body(k, _):
            cls_a = 2 * k
            wait_fetch(buf_a, sem_in_a)
            fetch(cls_a + 1, buf_b, sem_in_b)

            @pl.when(k > 0)
            def _():
                wait_drain(cnt_a, dsum_a, sem_dr_a)

            do_class(cls_a, buf_a, cnt_a, dsum_a, sem_dr_a)

            wait_fetch(buf_b, sem_in_b)

            @pl.when(cls_a + 2 < n_cls)
            def _():
                fetch(cls_a + 2, buf_a, sem_in_a)

            @pl.when(k > 0)
            def _():
                wait_drain(cnt_b, dsum_b, sem_dr_b)

            do_class(cls_a + 1, buf_b, cnt_b, dsum_b, sem_dr_b)
            return 0

        n_pairs = n_cls // 2
        lax.fori_loop(0, n_pairs, pair_body, 0)

        if n_cls % 2:
            wait_fetch(buf_a, sem_in_a)
            wait_drain(cnt_a, dsum_a, sem_dr_a)
            do_class(n_cls - 1, buf_a, cnt_a, dsum_a, sem_dr_a)

        wait_drain(cnt_a, dsum_a, sem_dr_a)
        wait_drain(cnt_b, dsum_b, sem_dr_b)

    return hist_kernel(codes)


def _reduce_body(h_ref, out_ref, *, n_cls, total):
    c = pl.program_id(0)
    t = jnp.sum(h_ref[...], axis=1)
    rows = NVB // 128
    n = (t[:, 0:NVB] + t[:, NVB:2 * NVB]).reshape(rows, 128)
    f = t[:, NVB:2 * NVB].reshape(rows, 128)
    d = (t[:, 2 * NVB:3 * NVB] + t[:, 3 * NVB:4 * NVB]).reshape(rows, 128)

    vb = (lax.broadcasted_iota(jnp.int32, (rows, 128), 0) * 128
          + lax.broadcasted_iota(jnp.int32, (rows, 128), 1))
    base_e = lax.bitcast_convert_type(vb << SHIFT, jnp.float32)
    exp_b = lax.shift_right_logical(vb, 23 - SHIFT)
    scale = lax.bitcast_convert_type(
        jnp.maximum(exp_b - 23, 0) << 23, jnp.float32)
    s = base_e * n + scale * d

    ri = lax.broadcasted_iota(jnp.int32, (128, 128), 0)
    ci = lax.broadcasted_iota(jnp.int32, (128, 128), 1)
    u = (ri < ci).astype(jnp.float32)
    rr = lax.broadcasted_iota(jnp.int32, (rows, rows), 0)
    rc = lax.broadcasted_iota(jnp.int32, (rows, rows), 1)
    vtri = (rc < rr).astype(jnp.float32)

    def exprefix(x):
        w = jax.lax.dot(x, u, precision=jax.lax.Precision.HIGHEST,
                        preferred_element_type=jnp.float32)
        tot = jnp.sum(x, axis=1, keepdims=True)
        r = jax.lax.dot(vtri, tot, precision=jax.lax.Precision.HIGHEST,
                        preferred_element_type=jnp.float32)
        return w + r

    a = exprefix(n)
    fa = exprefix(f)
    gts = jnp.sum(f, keepdims=True)
    i_in = total - a
    k_in = gts - fa
    i_ex = i_in - n
    k_ex = k_in - f

    u_in = gts + i_in - k_in
    u_ex = gts + i_ex - k_ex
    dj = (f * u_in + (gts - k_in) * (n - f)) / jnp.maximum(u_ex * u_in, 1.0)
    contrib = jnp.where(n > 0, s / jnp.maximum(n, 1.0) * dj, 0.0)
    loss_c = jnp.sum(contrib, keepdims=True)

    @pl.when(c == 0)
    def _():
        out_ref[...] = jnp.zeros_like(out_ref)

    out_ref[...] += loss_c / n_cls


def _tc_reduce(hists, n_cls, total):
    return pl.pallas_call(
        functools.partial(_reduce_body, n_cls=n_cls, total=float(total)),
        grid=(n_cls,),
        in_specs=[pl.BlockSpec((1, NW, NSLOT), lambda i: (i, 0, 0))],
        out_specs=pl.BlockSpec((1, 1), lambda i: (0, 0)),
        out_shape=jax.ShapeDtypeStruct((1, 1), jnp.float32),
    )(hists)


def kernel(pred, target):
    b, c, h, w = pred.shape
    p_total = b * h * w
    codes = _tc_codes(pred, target)
    hists = _sc_hist(codes, c, p_total // NW)
    loss = _tc_reduce(hists, c, p_total)
    return loss[0, 0]

# --- scband reference (transcript-rebuilt; emitter-appended) ---
"""Pipeline reference for scband-lovasz-softmax-loss-17575006175456 (READ-ONLY COPY).

The authoritative reference and input builder live on the scoring server;
editing this copy changes nothing except your own understanding.
"""

import jax, jax.numpy as jnp
import numpy as np


def setup_inputs(seed: int = 0) -> dict:
    key = jax.random.key(seed)
    k1, k2 = jax.random.split(key)
    pred = jax.random.normal(k1, (4, 21, 512, 512), dtype=jnp.float32)
    target = jax.random.randint(k2, (4, 512, 512), 0, 21, dtype=jnp.int32)
    return {"pred": pred, "target": target}


def lovasz_grad(gt_sorted):
    # gt_sorted: [P] float, sorted by descending error
    gts = gt_sorted.sum()
    intersection = gts - jnp.cumsum(gt_sorted)
    union = gts + jnp.cumsum(1.0 - gt_sorted)
    jaccard = 1.0 - intersection / union
    # jaccard[1:] = jaccard[1:] - jaccard[:-1]
    return jnp.concatenate([jaccard[:1], jaccard[1:] - jaccard[:-1]])


def reference(pred, target):
    # pred: [B, C, H, W] logits; target: [B, H, W] int labels
    probas = jax.nn.softmax(pred, axis=1)
    B, C, H, W = pred.shape
    pred_flat = jnp.transpose(probas, (0, 2, 3, 1)).reshape(-1, C)  # [P, C]
    labels = target.reshape(-1)  # [P]
    losses = []
    for c in range(C):  # classes='all'
        fg = (labels == c).astype(jnp.float32)  # [P]
        class_pred = pred_flat[:, c]
        errors = jnp.abs(fg - class_pred)
        order = jnp.argsort(-errors)  # descending sort permutation
        errors_sorted = errors[order]
        fg_sorted = fg[order]
        losses.append(jnp.dot(errors_sorted, lovasz_grad(fg_sorted)))
    return jnp.stack(losses).mean()

if __name__ == "__main__":
    import jax
    _d = setup_inputs()
    print(jax.jit(kernel)(*tuple(_d.values())))

</pallas_src>

<mosaic_0001>
#map = affine_map<(d0, d1) -> (0, 0, 0, 0)>
#map1 = affine_map<(d0, d1) -> (0, 0, 0)>
module attributes {stable_mosaic.version = 14 : i64} {
  func.func @hist_kernel(%arg0: i32, %arg1: i32, %arg2: memref<21x4x512x512xi32, #tpu.memory_space<hbm>>, %arg3: memref<21x32x16384xf32, #tpu.memory_space<hbm>>, %arg4: memref<8192xf32, #tpu.memory_space<vmem>>, %arg5: memref<8192xf32, #tpu.memory_space<vmem>>, %arg6: memref<8192xf32, #tpu.memory_space<vmem>>, %arg7: memref<8192xf32, #tpu.memory_space<vmem>>, %arg8: memref<64x512xi32, #tpu.memory_space<vmem>>, %arg9: memref<64x512xi32, #tpu.memory_space<vmem>>, %arg10: memref<!tpu.dma_semaphore, #tpu.memory_space<semaphore_mem>>, %arg11: memref<!tpu.dma_semaphore, #tpu.memory_space<semaphore_mem>>, %arg12: memref<!tpu.dma_semaphore, #tpu.memory_space<semaphore_mem>>, %arg13: memref<!tpu.dma_semaphore, #tpu.memory_space<semaphore_mem>>) attributes {dimension_semantics = [#tpu.dimension_semantics<core_parallel>, #tpu.dimension_semantics<subcore_parallel>], iteration_bounds = array<i64: 2, 16>, scalar_prefetch = 0 : i64, scratch_operands = 10 : i64, tpu.core_type = #tpu.core_type<sc_vector_subcore>, window_params = [{transform_indices = #map}, {transform_indices = #map1}]} {
    %mul3A = arith.constant 2 : i32
    %mul3A_0 = arith.muli %arg1, %mul3A : i32
    %add3A = arith.addi %mul3A_0, %arg0 : i32
    %jit3A = arith.constant 8 : i32
    %div3A = arith.divsi %add3A, %jit3A : i32
    %sign3A = arith.constant 0 : i32
    %sign3A_1 = arith.cmpi sgt, %add3A, %sign3A : i32
    %sign3A_2 = arith.extui %sign3A_1 : i1 to i32
    %sign3A_3 = arith.constant 0 : i32
    %sign3A_4 = arith.cmpi slt, %add3A, %sign3A_3 : i32
    %sign3A_5 = arith.extui %sign3A_4 : i1 to i32
    %sign3A_6 = arith.subi %sign3A_2, %sign3A_5 : i32
    %sign3A_7 = arith.constant 0 : i32
    %sign3A_8 = arith.cmpi sgt, %jit3A, %sign3A_7 : i32
    %sign3A_9 = arith.extui %sign3A_8 : i1 to i32
    %sign3A_10 = arith.constant 0 : i32
    %sign3A_11 = arith.cmpi slt, %jit3A, %sign3A_10 : i32
    %sign3A_12 = arith.extui %sign3A_11 : i1 to i32
    %sign3A_13 = arith.subi %sign3A_9, %sign3A_12 : i32
    %ne3A = arith.cmpi ne, %sign3A_6, %sign3A_13 : i32
    %rem3A = arith.remsi %add3A, %jit3A : i32
    %ne3A_14 = arith.constant 0 : i32
    %ne3A_15 = arith.cmpi ne, %rem3A, %ne3A_14 : i32
    %and3A = arith.andi %ne3A, %ne3A_15 : i1
    %sub3A = arith.constant 1 : i32
    %sub3A_16 = arith.subi %div3A, %sub3A : i32
    %select_n3A = arith.select %and3A, %sub3A_16, %div3A : i32
    %jit3A_17 = arith.constant 8 : i32
    %eq3A = arith.constant 0 : i32
    %eq3A_18 = arith.cmpi eq, %jit3A_17, %eq3A : i32
    %jit3A_19 = arith.constant 1 : i32
    %select_n3A_20 = arith.select %eq3A_18, %jit3A_19, %jit3A_17 : i32
    %rem3A_21 = arith.remsi %add3A, %select_n3A_20 : i32
    %ne3A_22 = arith.constant 0 : i32
    %ne3A_23 = arith.cmpi ne, %rem3A_21, %ne3A_22 : i32
    %lt3A = arith.constant 0 : i32
    %lt3A_24 = arith.cmpi slt, %rem3A_21, %lt3A : i32
    %lt3A_25 = arith.constant 0 : i32
    %lt3A_26 = arith.cmpi slt, %select_n3A_20, %lt3A_25 : i32
    %ne3A_27 = arith.xori %lt3A_24, %lt3A_26 : i1
    %and3A_28 = arith.andi %ne3A_27, %ne3A_23 : i1
    %add3A_29 = arith.addi %rem3A_21, %select_n3A_20 : i32
    %select_n3A_30 = arith.select %and3A_28, %add3A_29, %rem3A_21 : i32
    %mul3A_31 = arith.constant 64 : i32
    %mul3A_32 = arith.muli %select_n3A_30, %mul3A_31 : i32
    %broadcast_in_dim3A = arith.constant 1.000000e+00 : f32
    %broadcast_in_dim3A_33 = vector.broadcast %broadcast_in_dim3A : f32 to vector<16xf32>
    %dma_start3A = arith.constant 0 : i32
    %dma_start3A_34 = arith.constant 0 : i32
    %dma_start3A_35 = tpu.memref_slice %arg2[%dma_start3A, %select_n3A, %mul3A_32, %dma_start3A_34] : memref<21x4x512x512xi32, #tpu.memory_space<hbm>> -> memref<1x1x64x512xi32, #tpu.memory_space<hbm>>
    %dma_start3A_36 = tpu.memref_squeeze %dma_start3A_35 : memref<1x1x64x512xi32, #tpu.memory_space<hbm>> -> memref<64x512xi32, #tpu.memory_space<hbm>>
    %dma_start3A_37 = arith.constant 0 : i32
    %dma_start3A_38 = tpu.memref_slice %arg2[%dma_start3A, %select_n3A, %mul3A_32, %dma_start3A_37] : memref<21x4x512x512xi32, #tpu.memory_space<hbm>> -> memref<1x1x64x512xi32, #tpu.memory_space<hbm>>
    %dma_start3A_39 = tpu.memref_squeeze %dma_start3A_38 : memref<1x1x64x512xi32, #tpu.memory_space<hbm>> -> memref<64x512xi32, #tpu.memory_space<hbm>>
    tpu.enqueue_dma source(%dma_start3A_39 : memref<64x512xi32, #tpu.memory_space<hbm>>) target(%arg8 : memref<64x512xi32, #tpu.memory_space<vmem>>) target_semaphore(%arg10 : memref<!tpu.dma_semaphore, #tpu.memory_space<semaphore_mem>>)
    %scan3A = arith.constant 0 : i32
    %scan3A_40 = arith.constant 0 : i32
    %scan3A_41 = arith.constant 10 : i32
    %scan3A_42 = arith.addi %scan3A_40, %scan3A_41 : i32
    %scan3A_43 = arith.constant 1 : i32
    %scan3A_44 = scf.for %scan3A_131 = %scan3A_40 to %scan3A_42 step %scan3A_43 iter_args(%scan3A_132 = %scan3A) -> (i32)  : i32 {
      %mul3A_133 = arith.constant 2 : i32
      %mul3A_134 = arith.muli %mul3A_133, %scan3A_131 : i32
      %dma_wait3A_135 = arith.constant 0 : i32
      %dma_wait3A_136 = arith.constant 0 : i32
      %dma_wait3A_137 = arith.constant 0 : i32
      %dma_wait3A_138 = arith.constant 0 : i32
      %dma_wait3A_139 = tpu.memref_slice %arg2[%dma_wait3A_135, %dma_wait3A_136, %dma_wait3A_137, %dma_wait3A_138] : memref<21x4x512x512xi32, #tpu.memory_space<hbm>> -> memref<1x1x64x512xi32, #tpu.memory_space<hbm>>
      %dma_wait3A_140 = tpu.memref_squeeze %dma_wait3A_139 : memref<1x1x64x512xi32, #tpu.memory_space<hbm>> -> memref<64x512xi32, #tpu.memory_space<hbm>>
      %dma_wait3A_141 = arith.constant 0 : i32
      %dma_wait3A_142 = arith.constant 0 : i32
      %dma_wait3A_143 = tpu.memref_slice %arg2[%dma_wait3A_135, %dma_wait3A_136, %dma_wait3A_141, %dma_wait3A_142] : memref<21x4x512x512xi32, #tpu.memory_space<hbm>> -> memref<1x1x64x512xi32, #tpu.memory_space<hbm>>
      %dma_wait3A_144 = tpu.memref_squeeze %dma_wait3A_143 : memref<1x1x64x512xi32, #tpu.memory_space<hbm>> -> memref<64x512xi32, #tpu.memory_space<hbm>>
      tpu.wait_dma2 semaphore(%arg10 : memref<!tpu.dma_semaphore, #tpu.memory_space<semaphore_mem>>) src(%dma_wait3A_144 : memref<64x512xi32, #tpu.memory_space<hbm>>) dst(%arg8 : memref<64x512xi32, #tpu.memory_space<vmem>>)
      %add3A_145 = arith.constant 1 : i32
      %add3A_146 = arith.addi %mul3A_134, %add3A_145 : i32
      %dma_start3A_147 = arith.constant 0 : i32
      %dma_start3A_148 = tpu.memref_slice %arg2[%add3A_146, %select_n3A, %mul3A_32, %dma_start3A_147] : memref<21x4x512x512xi32, #tpu.memory_space<hbm>> -> memref<1x1x64x512xi32, #tpu.memory_space<hbm>>
      %dma_start3A_149 = tpu.memref_squeeze %dma_start3A_148 : memref<1x1x64x512xi32, #tpu.memory_space<hbm>> -> memref<64x512xi32, #tpu.memory_space<hbm>>
      %dma_start3A_150 = arith.constant 0 : i32
      %dma_start3A_151 = tpu.memref_slice %arg2[%add3A_146, %select_n3A, %mul3A_32, %dma_start3A_150] : memref<21x4x512x512xi32, #tpu.memory_space<hbm>> -> memref<1x1x64x512xi32, #tpu.memory_space<hbm>>
      %dma_start3A_152 = tpu.memref_squeeze %dma_start3A_151 : memref<1x1x64x512xi32, #tpu.memory_space<hbm>> -> memref<64x512xi32, #tpu.memory_space<hbm>>
      tpu.enqueue_dma source(%dma_start3A_152 : memref<64x512xi32, #tpu.memory_space<hbm>>) target(%arg9 : memref<64x512xi32, #tpu.memory_space<vmem>>) target_semaphore(%arg11 : memref<!tpu.dma_semaphore, #tpu.memory_space<semaphore_mem>>)
      %gt3A = arith.constant 0 : i32
      %gt3A_153 = arith.cmpi sgt, %scan3A_131, %gt3A : i32
      %convert_element_type3A = arith.extui %gt3A_153 : i1 to i32
      %cond3A = arith.constant 0 : i32
      %cond3A_154 = arith.cmpi ne, %convert_element_type3A, %cond3A : i32
      scf.if %cond3A_154 {
        %dma_wait3A_232 = arith.constant 0 : i32
        %dma_wait3A_233 = arith.constant 0 : i32
        %dma_wait3A_234 = arith.constant 0 : i32
        %dma_wait3A_235 = tpu.memref_slice %arg3[%dma_wait3A_232, %dma_wait3A_233, %dma_wait3A_234] : memref<21x32x16384xf32, #tpu.memory_space<hbm>> -> memref<1x1x8192xf32, #tpu.memory_space<hbm>>
        %dma_wait3A_236 = tpu.memref_squeeze %dma_wait3A_235 : memref<1x1x8192xf32, #tpu.memory_space<hbm>> -> memref<8192xf32, #tpu.memory_space<hbm>>
        %dma_wait3A_237 = arith.constant 0 : i32
        %dma_wait3A_238 = tpu.memref_slice %arg3[%dma_wait3A_232, %dma_wait3A_233, %dma_wait3A_237] : memref<21x32x16384xf32, #tpu.memory_space<hbm>> -> memref<1x1x8192xf32, #tpu.memory_space<hbm>>
        %dma_wait3A_239 = tpu.memref_squeeze %dma_wait3A_238 : memref<1x1x8192xf32, #tpu.memory_space<hbm>> -> memref<8192xf32, #tpu.memory_space<hbm>>
        tpu.wait_dma2 semaphore(%arg12 : memref<!tpu.dma_semaphore, #tpu.memory_space<semaphore_mem>>) src(%arg4 : memref<8192xf32, #tpu.memory_space<vmem>>) dst(%dma_wait3A_239 : memref<8192xf32, #tpu.memory_space<hbm>>)
        %dma_wait3A_240 = arith.constant 0 : i32
        %dma_wait3A_241 = arith.constant 0 : i32
        %dma_wait3A_242 = arith.constant 0 : i32
        %dma_wait3A_243 = tpu.memref_slice %arg3[%dma_wait3A_240, %dma_wait3A_241, %dma_wait3A_242] : memref<21x32x16384xf32, #tpu.memory_space<hbm>> -> memref<1x1x8192xf32, #tpu.memory_space<hbm>>
        %dma_wait3A_244 = tpu.memref_squeeze %dma_wait3A_243 : memref<1x1x8192xf32, #tpu.memory_space<hbm>> -> memref<8192xf32, #tpu.memory_space<hbm>>
        %dma_wait3A_245 = arith.constant 0 : i32
        %dma_wait3A_246 = tpu.memref_slice %arg3[%dma_wait3A_240, %dma_wait3A_241, %dma_wait3A_245] : memref<21x32x16384xf32, #tpu.memory_space<hbm>> -> memref<1x1x8192xf32, #tpu.memory_space<hbm>>
        %dma_wait3A_247 = tpu.memref_squeeze %dma_wait3A_246 : memref<1x1x8192xf32, #tpu.memory_space<hbm>> -> memref<8192xf32, #tpu.memory_space<hbm>>
        tpu.wait_dma2 semaphore(%arg12 : memref<!tpu.dma_semaphore, #tpu.memory_space<semaphore_mem>>) src(%arg6 : memref<8192xf32, #tpu.memory_space<vmem>>) dst(%dma_wait3A_247 : memref<8192xf32, #tpu.memory_space<hbm>>)
      } else {
      }
      %scan3A_155 = arith.constant 0 : i32
      %scan3A_156 = arith.constant 0 : i32
      %scan3A_157 = arith.constant 512 : i32
      %scan3A_158 = arith.addi %scan3A_156, %scan3A_157 : i32
      %scan3A_159 = arith.constant 8 : i32
      %scan3A_160 = scf.for %scan3A_232 = %scan3A_156 to %scan3A_158 step %scan3A_159 iter_args(%scan3A_233 = %scan3A_155) -> (i32)  : i32 {
        %broadcast_in_dim3A_234 = arith.constant 0.000000e+00 : f32
        %broadcast_in_dim3A_235 = vector.broadcast %broadcast_in_dim3A_234 : f32 to vector<16xf32>
        %mul3A_236 = arith.constant 16 : i32
        %mul3A_237 = arith.muli %scan3A_232, %mul3A_236 : i32
        %swap3A = arith.index_cast %mul3A_237 : i32 to index
        %swap3A_238 = tpu.vector_load %arg4[%swap3A] {strides = array<i32>} : memref<8192xf32, #tpu.memory_space<vmem>>, vector<16xf32>,
        tpu.vector_store %arg4[%swap3A], %broadcast_in_dim3A_235 {strides = array<i32>} : memref<8192xf32, #tpu.memory_space<vmem>>, vector<16xf32>,
        %mul3A_239 = arith.constant 16 : i32
        %mul3A_240 = arith.muli %scan3A_232, %mul3A_239 : i32
        %swap3A_241 = arith.index_cast %mul3A_240 : i32 to index
        %swap3A_242 = tpu.vector_load %arg6[%swap3A_241] {strides = array<i32>} : memref<8192xf32, #tpu.memory_space<vmem>>, vector<16xf32>,
        tpu.vector_store %arg6[%swap3A_241], %broadcast_in_dim3A_235 {strides = array<i32>} : memref<8192xf32, #tpu.memory_space<vmem>>, vector<16xf32>,
        %scan3A_243 = arith.constant 0 : i32
        %scan3A_244 = arith.constant 1 : i32
        %scan3A_245 = arith.addi %scan3A_232, %scan3A_244 : i32
        %broadcast_in_dim3A_246 = arith.constant 0.000000e+00 : f32
        %broadcast_in_dim3A_247 = vector.broadcast %broadcast_in_dim3A_246 : f32 to vector<16xf32>
        %mul3A_248 = arith.constant 16 : i32
        %mul3A_249 = arith.muli %scan3A_245, %mul3A_248 : i32
        %swap3A_250 = arith.index_cast %mul3A_249 : i32 to index
        %swap3A_251 = tpu.vector_load %arg4[%swap3A_250] {strides = array<i32>} : memref<8192xf32, #tpu.memory_space<vmem>>, vector<16xf32>,
        tpu.vector_store %arg4[%swap3A_250], %broadcast_in_dim3A_247 {strides = array<i32>} : memref<8192xf32, #tpu.memory_space<vmem>>, vector<16xf32>,
        %mul3A_252 = arith.constant 16 : i32
        %mul3A_253 = arith.muli %scan3A_245, %mul3A_252 : i32
        %swap3A_254 = arith.index_cast %mul3A_253 : i32 to index
        %swap3A_255 = tpu.vector_load %arg6[%swap3A_254] {strides = array<i32>} : memref<8192xf32, #tpu.memory_space<vmem>>, vector<16xf32>,
        tpu.vector_store %arg6[%swap3A_254], %broadcast_in_dim3A_247 {strides = array<i32>} : memref<8192xf32, #tpu.memory_space<vmem>>, vector<16xf32>,
        %scan3A_256 = arith.constant 0 : i32
        %scan3A_257 = arith.constant 2 : i32
        %scan3A_258 = arith.addi %scan3A_232, %scan3A_257 : i32
        %broadcast_in_dim3A_259 = arith.constant 0.000000e+00 : f32
        %broadcast_in_dim3A_260 = vector.broadcast %broadcast_in_dim3A_259 : f32 to vector<16xf32>
        %mul3A_261 = arith.constant 16 : i32
        %mul3A_262 = arith.muli %scan3A_258, %mul3A_261 : i32
        %swap3A_263 = arith.index_cast %mul3A_262 : i32 to index
        %swap3A_264 = tpu.vector_load %arg4[%swap3A_263] {strides = array<i32>} : memref<8192xf32, #tpu.memory_space<vmem>>, vector<16xf32>,
        tpu.vector_store %arg4[%swap3A_263], %broadcast_in_dim3A_260 {strides = array<i32>} : memref<8192xf32, #tpu.memory_space<vmem>>, vector<16xf32>,
        %mul3A_265 = arith.constant 16 : i32
        %mul3A_266 = arith.muli %scan3A_258, %mul3A_265 : i32
        %swap3A_267 = arith.index_cast %mul3A_266 : i32 to index
        %swap3A_268 = tpu.vector_load %arg6[%swap3A_267] {strides = array<i32>} : memref<8192xf32, #tpu.memory_space<vmem>>, vector<16xf32>,
        tpu.vector_store %arg6[%swap3A_267], %broadcast_in_dim3A_260 {strides = array<i32>} : memref<8192xf32, #tpu.memory_space<vmem>>, vector<16xf32>,
        %scan3A_269 = arith.constant 0 : i32
        %scan3A_270 = arith.constant 3 : i32
        %scan3A_271 = arith.addi %scan3A_232, %scan3A_270 : i32
        %broadcast_in_dim3A_272 = arith.constant 0.000000e+00 : f32
        %broadcast_in_dim3A_273 = vector.broadcast %broadcast_in_dim3A_272 : f32 to vector<16xf32>
        %mul3A_274 = arith.constant 16 : i32
        %mul3A_275 = arith.muli %scan3A_271, %mul3A_274 : i32
        %swap3A_276 = arith.index_cast %mul3A_275 : i32 to index
        %swap3A_277 = tpu.vector_load %arg4[%swap3A_276] {strides = array<i32>} : memref<8192xf32, #tpu.memory_space<vmem>>, vector<16xf32>,
        tpu.vector_store %arg4[%swap3A_276], %broadcast_in_dim3A_273 {strides = array<i32>} : memref<8192xf32, #tpu.memory_space<vmem>>, vector<16xf32>,
        %mul3A_278 = arith.constant 16 : i32
        %mul3A_279 = arith.muli %scan3A_271, %mul3A_278 : i32
        %swap3A_280 = arith.index_cast %mul3A_279 : i32 to index
        %swap3A_281 = tpu.vector_load %arg6[%swap3A_280] {strides = array<i32>} : memref<8192xf32, #tpu.memory_space<vmem>>, vector<16xf32>,
        tpu.vector_store %arg6[%swap3A_280], %broadcast_in_dim3A_273 {strides = array<i32>} : memref<8192xf32, #tpu.memory_space<vmem>>, vector<16xf32>,
        %scan3A_282 = arith.constant 0 : i32
        %scan3A_283 = arith.constant 4 : i32
        %scan3A_284 = arith.addi %scan3A_232, %scan3A_283 : i32
        %broadcast_in_dim3A_285 = arith.constant 0.000000e+00 : f32
        %broadcast_in_dim3A_286 = vector.broadcast %broadcast_in_dim3A_285 : f32 to vector<16xf32>
        %mul3A_287 = arith.constant 16 : i32
        %mul3A_288 = arith.muli %scan3A_284, %mul3A_287 : i32
        %swap3A_289 = arith.index_cast %mul3A_288 : i32 to index
        %swap3A_290 = tpu.vector_load %arg4[%swap3A_289] {strides = array<i32>} : memref<8192xf32, #tpu.memory_space<vmem>>, vector<16xf32>,
        tpu.vector_store %arg4[%swap3A_289], %broadcast_in_dim3A_286 {strides = array<i32>} : memref<8192xf32, #tpu.memory_space<vmem>>, vector<16xf32>,
        %mul3A_291 = arith.constant 16 : i32
        %mul3A_292 = arith.muli %scan3A_284, %mul3A_291 : i32
        %swap3A_293 = arith.index_cast %mul3A_292 : i32 to index
        %swap3A_294 = tpu.vector_load %arg6[%swap3A_293] {strides = array<i32>} : memref<8192xf32, #tpu.memory_space<vmem>>, vector<16xf32>,
        tpu.vector_store %arg6[%swap3A_293], %broadcast_in_dim3A_286 {strides = array<i32>} : memref<8192xf32, #tpu.memory_space<vmem>>, vector<16xf32>,
        %scan3A_295 = arith.constant 0 : i32
        %scan3A_296 = arith.constant 5 : i32
        %scan3A_297 = arith.addi %scan3A_232, %scan3A_296 : i32
        %broadcast_in_dim3A_298 = arith.constant 0.000000e+00 : f32
        %broadcast_in_dim3A_299 = vector.broadcast %broadcast_in_dim3A_298 : f32 to vector<16xf32>
        %mul3A_300 = arith.constant 16 : i32
        %mul3A_301 = arith.muli %scan3A_297, %mul3A_300 : i32
        %swap3A_302 = arith.index_cast %mul3A_301 : i32 to index
        %swap3A_303 = tpu.vector_load %arg4[%swap3A_302] {strides = array<i32>} : memref<8192xf32, #tpu.memory_space<vmem>>, vector<16xf32>,
        tpu.vector_store %arg4[%swap3A_302], %broadcast_in_dim3A_299 {strides = array<i32>} : memref<8192xf32, #tpu.memory_space<vmem>>, vector<16xf32>,
        %mul3A_304 = arith.constant 16 : i32
        %mul3A_305 = arith.muli %scan3A_297, %mul3A_304 : i32
        %swap3A_306 = arith.index_cast %mul3A_305 : i32 to index
        %swap3A_307 = tpu.vector_load %arg6[%swap3A_306] {strides = array<i32>} : memref<8192xf32, #tpu.memory_space<vmem>>, vector<16xf32>,
        tpu.vector_store %arg6[%swap3A_306], %broadcast_in_dim3A_299 {strides = array<i32>} : memref<8192xf32, #tpu.memory_space<vmem>>, vector<16xf32>,
        %scan3A_308 = arith.constant 0 : i32
        %scan3A_309 = arith.constant 6 : i32
        %scan3A_310 = arith.addi %scan3A_232, %scan3A_309 : i32
        %broadcast_in_dim3A_311 = arith.constant 0.000000e+00 : f32
        %broadcast_in_dim3A_312 = vector.broadcast %broadcast_in_dim3A_311 : f32 to vector<16xf32>
        %mul3A_313 = arith.constant 16 : i32
        %mul3A_314 = arith.muli %scan3A_310, %mul3A_313 : i32
        %swap3A_315 = arith.index_cast %mul3A_314 : i32 to index
        %swap3A_316 = tpu.vector_load %arg4[%swap3A_315] {strides = array<i32>} : memref<8192xf32, #tpu.memory_space<vmem>>, vector<16xf32>,
        tpu.vector_store %arg4[%swap3A_315], %broadcast_in_dim3A_312 {strides = array<i32>} : memref<8192xf32, #tpu.memory_space<vmem>>, vector<16xf32>,
        %mul3A_317 = arith.constant 16 : i32
        %mul3A_318 = arith.muli %scan3A_310, %mul3A_317 : i32
        %swap3A_319 = arith.index_cast %mul3A_318 : i32 to index
        %swap3A_320 = tpu.vector_load %arg6[%swap3A_319] {strides = array<i32>} : memref<8192xf32, #tpu.memory_space<vmem>>, vector<16xf32>,
        tpu.vector_store %arg6[%swap3A_319], %broadcast_in_dim3A_312 {strides = array<i32>} : memref<8192xf32, #tpu.memory_space<vmem>>, vector<16xf32>,
        %scan3A_321 = arith.constant 0 : i32
        %scan3A_322 = arith.constant 7 : i32
        %scan3A_323 = arith.addi %scan3A_232, %scan3A_322 : i32
        %broadcast_in_dim3A_324 = arith.constant 0.000000e+00 : f32
        %broadcast_in_dim3A_325 = vector.broadcast %broadcast_in_dim3A_324 : f32 to vector<16xf32>
        %mul3A_326 = arith.constant 16 : i32
        %mul3A_327 = arith.muli %scan3A_323, %mul3A_326 : i32
        %swap3A_328 = arith.index_cast %mul3A_327 : i32 to index
        %swap3A_329 = tpu.vector_load %arg4[%swap3A_328] {strides = array<i32>} : memref<8192xf32, #tpu.memory_space<vmem>>, vector<16xf32>,
        tpu.vector_store %arg4[%swap3A_328], %broadcast_in_dim3A_325 {strides = array<i32>} : memref<8192xf32, #tpu.memory_space<vmem>>, vector<16xf32>,
        %mul3A_330 = arith.constant 16 : i32
        %mul3A_331 = arith.muli %scan3A_323, %mul3A_330 : i32
        %swap3A_332 = arith.index_cast %mul3A_331 : i32 to index
        %swap3A_333 = tpu.vector_load %arg6[%swap3A_332] {strides = array<i32>} : memref<8192xf32, #tpu.memory_space<vmem>>, vector<16xf32>,
        tpu.vector_store %arg6[%swap3A_332], %broadcast_in_dim3A_325 {strides = array<i32>} : memref<8192xf32, #tpu.memory_space<vmem>>, vector<16xf32>,
        %scan3A_334 = arith.constant 0 : i32
        scf.yield %scan3A_334 : i32
      }
      %scan3A_161 = arith.constant 512 : i32
      %scan3A_162 = arith.constant 0 : i32
      %scan3A_163 = arith.constant 0 : i32
      %scan3A_164 = arith.constant 256 : i32
      %scan3A_165 = arith.addi %scan3A_163, %scan3A_164 : i32
      %scan3A_166 = arith.constant 1 : i32
      %scan3A_167 = scf.for %scan3A_232 = %scan3A_163 to %scan3A_165 step %scan3A_166 iter_args(%scan3A_233 = %scan3A_162) -> (i32)  : i32 {
        %jit3A_234 = arith.constant 4 : i32
        %div3A_235 = arith.divsi %scan3A_232, %jit3A_234 : i32
        %sign3A_236 = arith.constant 0 : i32
        %sign3A_237 = arith.cmpi sgt, %scan3A_232, %sign3A_236 : i32
        %sign3A_238 = arith.extui %sign3A_237 : i1 to i32
        %sign3A_239 = arith.constant 0 : i32
        %sign3A_240 = arith.cmpi slt, %scan3A_232, %sign3A_239 : i32
        %sign3A_241 = arith.extui %sign3A_240 : i1 to i32
        %sign3A_242 = arith.subi %sign3A_238, %sign3A_241 : i32
        %sign3A_243 = arith.constant 0 : i32
        %sign3A_244 = arith.cmpi sgt, %jit3A_234, %sign3A_243 : i32
        %sign3A_245 = arith.extui %sign3A_244 : i1 to i32
        %sign3A_246 = arith.constant 0 : i32
        %sign3A_247 = arith.cmpi slt, %jit3A_234, %sign3A_246 : i32
        %sign3A_248 = arith.extui %sign3A_247 : i1 to i32
        %sign3A_249 = arith.subi %sign3A_245, %sign3A_248 : i32
        %ne3A_250 = arith.cmpi ne, %sign3A_242, %sign3A_249 : i32
        %rem3A_251 = arith.remsi %scan3A_232, %jit3A_234 : i32
        %ne3A_252 = arith.constant 0 : i32
        %ne3A_253 = arith.cmpi ne, %rem3A_251, %ne3A_252 : i32
        %and3A_254 = arith.andi %ne3A_250, %ne3A_253 : i1
        %sub3A_255 = arith.constant 1 : i32
        %sub3A_256 = arith.subi %div3A_235, %sub3A_255 : i32
        %select_n3A_257 = arith.select %and3A_254, %sub3A_256, %div3A_235 : i32
        %jit3A_258 = arith.constant 4 : i32
        %eq3A_259 = arith.constant 0 : i32
        %eq3A_260 = arith.cmpi eq, %jit3A_258, %eq3A_259 : i32
        %jit3A_261 = arith.constant 1 : i32
        %select_n3A_262 = arith.select %eq3A_260, %jit3A_261, %jit3A_258 : i32
        %rem3A_263 = arith.remsi %scan3A_232, %select_n3A_262 : i32
        %ne3A_264 = arith.constant 0 : i32
        %ne3A_265 = arith.cmpi ne, %rem3A_263, %ne3A_264 : i32
        %lt3A_266 = arith.constant 0 : i32
        %lt3A_267 = arith.cmpi slt, %rem3A_263, %lt3A_266 : i32
        %lt3A_268 = arith.constant 0 : i32
        %lt3A_269 = arith.cmpi slt, %select_n3A_262, %lt3A_268 : i32
        %ne3A_270 = arith.xori %lt3A_267, %lt3A_269 : i1
        %and3A_271 = arith.andi %ne3A_270, %ne3A_265 : i1
        %add3A_272 = arith.addi %rem3A_263, %select_n3A_262 : i32
        %select_n3A_273 = arith.select %and3A_271, %add3A_272, %rem3A_263 : i32
        %mul3A_274 = arith.constant 128 : i32
        %mul3A_275 = arith.muli %select_n3A_273, %mul3A_274 : i32
        %add3A_276 = arith.constant 0 : i32
        %add3A_277 = arith.addi %mul3A_275, %add3A_276 : i32
        %get3A = arith.index_cast %select_n3A_257 : i32 to index
        %get3A_278 = arith.index_cast %add3A_277 : i32 to index
        %get3A_279 = tpu.vector_load %arg8[%get3A, %get3A_278] {strides = array<i32>} : memref<64x512xi32, #tpu.memory_space<vmem>>, vector<16xi32>,
        %add3A_280 = arith.constant 16 : i32
        %add3A_281 = arith.addi %mul3A_275, %add3A_280 : i32
        %get3A_282 = arith.index_cast %select_n3A_257 : i32 to index
        %get3A_283 = arith.index_cast %add3A_281 : i32 to index
        %get3A_284 = tpu.vector_load %arg8[%get3A_282, %get3A_283] {strides = array<i32>} : memref<64x512xi32, #tpu.memory_space<vmem>>, vector<16xi32>,
        %add3A_285 = arith.constant 32 : i32
        %add3A_286 = arith.addi %mul3A_275, %add3A_285 : i32
        %get3A_287 = arith.index_cast %select_n3A_257 : i32 to index
        %get3A_288 = arith.index_cast %add3A_286 : i32 to index
        %get3A_289 = tpu.vector_load %arg8[%get3A_287, %get3A_288] {strides = array<i32>} : memref<64x512xi32, #tpu.memory_space<vmem>>, vector<16xi32>,
        %add3A_290 = arith.constant 48 : i32
        %add3A_291 = arith.addi %mul3A_275, %add3A_290 : i32
        %get3A_292 = arith.index_cast %select_n3A_257 : i32 to index
        %get3A_293 = arith.index_cast %add3A_291 : i32 to index
        %get3A_294 = tpu.vector_load %arg8[%get3A_292, %get3A_293] {strides = array<i32>} : memref<64x512xi32, #tpu.memory_space<vmem>>, vector<16xi32>,
        %add3A_295 = arith.constant 64 : i32
        %add3A_296 = arith.addi %mul3A_275, %add3A_295 : i32
        %get3A_297 = arith.index_cast %select_n3A_257 : i32 to index
        %get3A_298 = arith.index_cast %add3A_296 : i32 to index
        %get3A_299 = tpu.vector_load %arg8[%get3A_297, %get3A_298] {strides = array<i32>} : memref<64x512xi32, #tpu.memory_space<vmem>>, vector<16xi32>,
        %add3A_300 = arith.constant 80 : i32
        %add3A_301 = arith.addi %mul3A_275, %add3A_300 : i32
        %get3A_302 = arith.index_cast %select_n3A_257 : i32 to index
        %get3A_303 = arith.index_cast %add3A_301 : i32 to index
        %get3A_304 = tpu.vector_load %arg8[%get3A_302, %get3A_303] {strides = array<i32>} : memref<64x512xi32, #tpu.memory_space<vmem>>, vector<16xi32>,
        %add3A_305 = arith.constant 96 : i32
        %add3A_306 = arith.addi %mul3A_275, %add3A_305 : i32
        %get3A_307 = arith.index_cast %select_n3A_257 : i32 to index
        %get3A_308 = arith.index_cast %add3A_306 : i32 to index
        %get3A_309 = tpu.vector_load %arg8[%get3A_307, %get3A_308] {strides = array<i32>} : memref<64x512xi32, #tpu.memory_space<vmem>>, vector<16xi32>,
        %add3A_310 = arith.constant 112 : i32
        %add3A_311 = arith.addi %mul3A_275, %add3A_310 : i32
        %get3A_312 = arith.index_cast %select_n3A_257 : i32 to index
        %get3A_313 = arith.index_cast %add3A_311 : i32 to index
        %get3A_314 = tpu.vector_load %arg8[%get3A_312, %get3A_313] {strides = array<i32>} : memref<64x512xi32, #tpu.memory_space<vmem>>, vector<16xi32>,
        %shift_right_logical3A = arith.constant 18 : i32
        %shift_right_logical3A_315 = vector.broadcast %shift_right_logical3A : i32 to vector<16xi32>
        %shift_right_logical3A_316 = arith.shrui %get3A_279, %shift_right_logical3A_315 : vector<16xi32>
        %shift_right_logical3A_317 = arith.constant 18 : i32
        %shift_right_logical3A_318 = vector.broadcast %shift_right_logical3A_317 : i32 to vector<16xi32>
        %shift_right_logical3A_319 = arith.shrui %get3A_284, %shift_right_logical3A_318 : vector<16xi32>
        %shift_right_logical3A_320 = arith.constant 18 : i32
        %shift_right_logical3A_321 = vector.broadcast %shift_right_logical3A_320 : i32 to vector<16xi32>
        %shift_right_logical3A_322 = arith.shrui %get3A_289, %shift_right_logical3A_321 : vector<16xi32>
        %shift_right_logical3A_323 = arith.constant 18 : i32
        %shift_right_logical3A_324 = vector.broadcast %shift_right_logical3A_323 : i32 to vector<16xi32>
        %shift_right_logical3A_325 = arith.shrui %get3A_294, %shift_right_logical3A_324 : vector<16xi32>
        %shift_right_logical3A_326 = arith.constant 18 : i32
        %shift_right_logical3A_327 = vector.broadcast %shift_right_logical3A_326 : i32 to vector<16xi32>
        %shift_right_logical3A_328 = arith.shrui %get3A_299, %shift_right_logical3A_327 : vector<16xi32>
        %shift_right_logical3A_329 = arith.constant 18 : i32
        %shift_right_logical3A_330 = vector.broadcast %shift_right_logical3A_329 : i32 to vector<16xi32>
        %shift_right_logical3A_331 = arith.shrui %get3A_304, %shift_right_logical3A_330 : vector<16xi32>
        %shift_right_logical3A_332 = arith.constant 18 : i32
        %shift_right_logical3A_333 = vector.broadcast %shift_right_logical3A_332 : i32 to vector<16xi32>
        %shift_right_logical3A_334 = arith.shrui %get3A_309, %shift_right_logical3A_333 : vector<16xi32>
        %shift_right_logical3A_335 = arith.constant 18 : i32
        %shift_right_logical3A_336 = vector.broadcast %shift_right_logical3A_335 : i32 to vector<16xi32>
        %shift_right_logical3A_337 = arith.shrui %get3A_314, %shift_right_logical3A_336 : vector<16xi32>
        %and3A_338 = arith.constant 262143 : i32
        %and3A_339 = vector.broadcast %and3A_338 : i32 to vector<16xi32>
        %and3A_340 = arith.andi %get3A_279, %and3A_339 : vector<16xi32>
        %convert_element_type3A_341 = arith.sitofp %and3A_340 : vector<16xi32> to vector<16xf32>
        %and3A_342 = arith.constant 262143 : i32
        %and3A_343 = vector.broadcast %and3A_342 : i32 to vector<16xi32>
        %and3A_344 = arith.andi %get3A_284, %and3A_343 : vector<16xi32>
        %convert_element_type3A_345 = arith.sitofp %and3A_344 : vector<16xi32> to vector<16xf32>
        %and3A_346 = arith.constant 262143 : i32
        %and3A_347 = vector.broadcast %and3A_346 : i32 to vector<16xi32>
        %and3A_348 = arith.andi %get3A_289, %and3A_347 : vector<16xi32>
        %convert_element_type3A_349 = arith.sitofp %and3A_348 : vector<16xi32> to vector<16xf32>
        %and3A_350 = arith.constant 262143 : i32
        %and3A_351 = vector.broadcast %and3A_350 : i32 to vector<16xi32>
        %and3A_352 = arith.andi %get3A_294, %and3A_351 : vector<16xi32>
        %convert_element_type3A_353 = arith.sitofp %and3A_352 : vector<16xi32> to vector<16xf32>
        %and3A_354 = arith.constant 262143 : i32
        %and3A_355 = vector.broadcast %and3A_354 : i32 to vector<16xi32>
        %and3A_356 = arith.andi %get3A_299, %and3A_355 : vector<16xi32>
        %convert_element_type3A_357 = arith.sitofp %and3A_356 : vector<16xi32> to vector<16xf32>
        %and3A_358 = arith.constant 262143 : i32
        %and3A_359 = vector.broadcast %and3A_358 : i32 to vector<16xi32>
        %and3A_360 = arith.andi %get3A_304, %and3A_359 : vector<16xi32>
        %convert_element_type3A_361 = arith.sitofp %and3A_360 : vector<16xi32> to vector<16xf32>
        %and3A_362 = arith.constant 262143 : i32
        %and3A_363 = vector.broadcast %and3A_362 : i32 to vector<16xi32>
        %and3A_364 = arith.andi %get3A_309, %and3A_363 : vector<16xi32>
        %convert_element_type3A_365 = arith.sitofp %and3A_364 : vector<16xi32> to vector<16xf32>
        %and3A_366 = arith.constant 262143 : i32
        %and3A_367 = vector.broadcast %and3A_366 : i32 to vector<16xi32>
        %and3A_368 = arith.andi %get3A_314, %and3A_367 : vector<16xi32>
        %convert_element_type3A_369 = arith.sitofp %and3A_368 : vector<16xi32> to vector<16xf32>
        tpu.vector_store_idx %arg4[%shift_right_logical3A_316], %broadcast_in_dim3A_33 {add = true} : memref<8192xf32, #tpu.memory_space<vmem>>[vector<16xi32>], vector<16xf32>,
        tpu.vector_store_idx %arg4[%shift_right_logical3A_319], %broadcast_in_dim3A_33 {add = true} : memref<8192xf32, #tpu.memory_space<vmem>>[vector<16xi32>], vector<16xf32>,
        tpu.vector_store_idx %arg4[%shift_right_logical3A_322], %broadcast_in_dim3A_33 {add = true} : memref<8192xf32, #tpu.memory_space<vmem>>[vector<16xi32>], vector<16xf32>,
        tpu.vector_store_idx %arg4[%shift_right_logical3A_325], %broadcast_in_dim3A_33 {add = true} : memref<8192xf32, #tpu.memory_space<vmem>>[vector<16xi32>], vector<16xf32>,
        tpu.vector_store_idx %arg4[%shift_right_logical3A_328], %broadcast_in_dim3A_33 {add = true} : memref<8192xf32, #tpu.memory_space<vmem>>[vector<16xi32>], vector<16xf32>,
        tpu.vector_store_idx %arg4[%shift_right_logical3A_331], %broadcast_in_dim3A_33 {add = true} : memref<8192xf32, #tpu.memory_space<vmem>>[vector<16xi32>], vector<16xf32>,
        tpu.vector_store_idx %arg4[%shift_right_logical3A_334], %broadcast_in_dim3A_33 {add = true} : memref<8192xf32, #tpu.memory_space<vmem>>[vector<16xi32>], vector<16xf32>,
        tpu.vector_store_idx %arg4[%shift_right_logical3A_337], %broadcast_in_dim3A_33 {add = true} : memref<8192xf32, #tpu.memory_space<vmem>>[vector<16xi32>], vector<16xf32>,
        tpu.vector_store_idx %arg6[%shift_right_logical3A_316], %convert_element_type3A_341 {add = true} : memref<8192xf32, #tpu.memory_space<vmem>>[vector<16xi32>], vector<16xf32>,
        tpu.vector_store_idx %arg6[%shift_right_logical3A_319], %convert_element_type3A_345 {add = true} : memref<8192xf32, #tpu.memory_space<vmem>>[vector<16xi32>], vector<16xf32>,
        tpu.vector_store_idx %arg6[%shift_right_logical3A_322], %convert_element_type3A_349 {add = true} : memref<8192xf32, #tpu.memory_space<vmem>>[vector<16xi32>], vector<16xf32>,
        tpu.vector_store_idx %arg6[%shift_right_logical3A_325], %convert_element_type3A_353 {add = true} : memref<8192xf32, #tpu.memory_space<vmem>>[vector<16xi32>], vector<16xf32>,
        tpu.vector_store_idx %arg6[%shift_right_logical3A_328], %convert_element_type3A_357 {add = true} : memref<8192xf32, #tpu.memory_space<vmem>>[vector<16xi32>], vector<16xf32>,
        tpu.vector_store_idx %arg6[%shift_right_logical3A_331], %convert_element_type3A_361 {add = true} : memref<8192xf32, #tpu.memory_space<vmem>>[vector<16xi32>], vector<16xf32>,
        tpu.vector_store_idx %arg6[%shift_right_logical3A_334], %convert_element_type3A_365 {add = true} : memref<8192xf32, #tpu.memory_space<vmem>>[vector<16xi32>], vector<16xf32>,
        tpu.vector_store_idx %arg6[%shift_right_logical3A_337], %convert_element_type3A_369 {add = true} : memref<8192xf32, #tpu.memory_space<vmem>>[vector<16xi32>], vector<16xf32>,
        %scan3A_370 = arith.constant 0 : i32
        scf.yield %scan3A_370 : i32
      }
      %scan3A_168 = arith.constant 256 : i32
      %dma_start3A_169 = arith.constant 0 : i32
      %dma_start3A_170 = tpu.memref_slice %arg3[%mul3A_134, %add3A, %dma_start3A_169] : memref<21x32x16384xf32, #tpu.memory_space<hbm>> -> memref<1x1x8192xf32, #tpu.memory_space<hbm>>
      %dma_start3A_171 = tpu.memref_squeeze %dma_start3A_170 : memref<1x1x8192xf32, #tpu.memory_space<hbm>> -> memref<8192xf32, #tpu.memory_space<hbm>>
      %dma_start3A_172 = arith.constant 0 : i32
      %dma_start3A_173 = tpu.memref_slice %arg3[%mul3A_134, %add3A, %dma_start3A_172] : memref<21x32x16384xf32, #tpu.memory_space<hbm>> -> memref<1x1x8192xf32, #tpu.memory_space<hbm>>
      %dma_start3A_174 = tpu.memref_squeeze %dma_start3A_173 : memref<1x1x8192xf32, #tpu.memory_space<hbm>> -> memref<8192xf32, #tpu.memory_space<hbm>>
      tpu.enqueue_dma source(%arg4 : memref<8192xf32, #tpu.memory_space<vmem>>) target(%dma_start3A_174 : memref<8192xf32, #tpu.memory_space<hbm>>) target_semaphore(%arg12 : memref<!tpu.dma_semaphore, #tpu.memory_space<semaphore_mem>>)
      %dma_start3A_175 = arith.constant 8192 : i32
      %dma_start3A_176 = tpu.memref_slice %arg3[%mul3A_134, %add3A, %dma_start3A_175] : memref<21x32x16384xf32, #tpu.memory_space<hbm>> -> memref<1x1x8192xf32, #tpu.memory_space<hbm>>
      %dma_start3A_177 = tpu.memref_squeeze %dma_start3A_176 : memref<1x1x8192xf32, #tpu.memory_space<hbm>> -> memref<8192xf32, #tpu.memory_space<hbm>>
      %dma_start3A_178 = arith.constant 8192 : i32
      %dma_start3A_179 = tpu.memref_slice %arg3[%mul3A_134, %add3A, %dma_start3A_178] : memref<21x32x16384xf32, #tpu.memory_space<hbm>> -> memref<1x1x8192xf32, #tpu.memory_space<hbm>>
      %dma_start3A_180 = tpu.memref_squeeze %dma_start3A_179 : memref<1x1x8192xf32, #tpu.memory_space<hbm>> -> memref<8192xf32, #tpu.memory_space<hbm>>
      tpu.enqueue_dma source(%arg6 : memref<8192xf32, #tpu.memory_space<vmem>>) target(%dma_start3A_180 : memref<8192xf32, #tpu.memory_space<hbm>>) target_semaphore(%arg12 : memref<!tpu.dma_semaphore, #tpu.memory_space<semaphore_mem>>)
      %dma_wait3A_181 = arith.constant 0 : i32
      %dma_wait3A_182 = arith.constant 0 : i32
      %dma_wait3A_183 = arith.constant 0 : i32
      %dma_wait3A_184 = arith.constant 0 : i32
      %dma_wait3A_185 = tpu.memref_slice %arg2[%dma_wait3A_181, %dma_wait3A_182, %dma_wait3A_183, %dma_wait3A_184] : memref<21x4x512x512xi32, #tpu.memory_space<hbm>> -> memref<1x1x64x512xi32, #tpu.memory_space<hbm>>
      %dma_wait3A_186 = tpu.memref_squeeze %dma_wait3A_185 : memref<1x1x64x512xi32, #tpu.memory_space<hbm>> -> memref<64x512xi32, #tpu.memory_space<hbm>>
      %dma_wait3A_187 = arith.constant 0 : i32
      %dma_wait3A_188 = arith.constant 0 : i32
      %dma_wait3A_189 = tpu.memref_slice %arg2[%dma_wait3A_181, %dma_wait3A_182, %dma_wait3A_187, %dma_wait3A_188] : memref<21x4x512x512xi32, #tpu.memory_space<hbm>> -> memref<1x1x64x512xi32, #tpu.memory_space<hbm>>
      %dma_wait3A_190 = tpu.memref_squeeze %dma_wait3A_189 : memref<1x1x64x512xi32, #tpu.memory_space<hbm>> -> memref<64x512xi32, #tpu.memory_space<hbm>>
      tpu.wait_dma2 semaphore(%arg11 : memref<!tpu.dma_semaphore, #tpu.memory_space<semaphore_mem>>) src(%dma_wait3A_190 : memref<64x512xi32, #tpu.memory_space<hbm>>) dst(%arg9 : memref<64x512xi32, #tpu.memory_space<vmem>>)
      %add3A_191 = arith.constant 2 : i32
      %add3A_192 = arith.addi %mul3A_134, %add3A_191 : i32
      %lt3A_193 = arith.constant 21 : i32
      %lt3A_194 = arith.cmpi slt, %add3A_192, %lt3A_193 : i32
      %convert_element_type3A_195 = arith.extui %lt3A_194 : i1 to i32
      %cond3A_196 = arith.constant 0 : i32
      %cond3A_197 = arith.cmpi ne, %convert_element_type3A_195, %cond3A_196 : i32
      scf.if %cond3A_197 {
        %add3A_232 = arith.constant 2 : i32
        %add3A_233 = arith.addi %mul3A_134, %add3A_232 : i32
        %dma_start3A_234 = arith.constant 0 : i32
        %dma_start3A_235 = tpu.memref_slice %arg2[%add3A_233, %select_n3A, %mul3A_32, %dma_start3A_234] : memref<21x4x512x512xi32, #tpu.memory_space<hbm>> -> memref<1x1x64x512xi32, #tpu.memory_space<hbm>>
        %dma_start3A_236 = tpu.memref_squeeze %dma_start3A_235 : memref<1x1x64x512xi32, #tpu.memory_space<hbm>> -> memref<64x512xi32, #tpu.memory_space<hbm>>
        %dma_start3A_237 = arith.constant 0 : i32
        %dma_start3A_238 = tpu.memref_slice %arg2[%add3A_233, %select_n3A, %mul3A_32, %dma_start3A_237] : memref<21x4x512x512xi32, #tpu.memory_space<hbm>> -> memref<1x1x64x512xi32, #tpu.memory_space<hbm>>
        %dma_start3A_239 = tpu.memref_squeeze %dma_start3A_238 : memref<1x1x64x512xi32, #tpu.memory_space<hbm>> -> memref<64x512xi32, #tpu.memory_space<hbm>>
        tpu.enqueue_dma source(%dma_start3A_239 : memref<64x512xi32, #tpu.memory_space<hbm>>) target(%arg8 : memref<64x512xi32, #tpu.memory_space<vmem>>) target_semaphore(%arg10 : memref<!tpu.dma_semaphore, #tpu.memory_space<semaphore_mem>>)
      } else {
      }
      %gt3A_198 = arith.constant 0 : i32
      %gt3A_199 = arith.cmpi sgt, %scan3A_131, %gt3A_198 : i32
      %convert_element_type3A_200 = arith.extui %gt3A_199 : i1 to i32
      %cond3A_201 = arith.constant 0 : i32
      %cond3A_202 = arith.cmpi ne, %convert_element_type3A_200, %cond3A_201 : i32
      scf.if %cond3A_202 {
        %dma_wait3A_232 = arith.constant 0 : i32
        %dma_wait3A_233 = arith.constant 0 : i32
        %dma_wait3A_234 = arith.constant 0 : i32
        %dma_wait3A_235 = tpu.memref_slice %arg3[%dma_wait3A_232, %dma_wait3A_233, %dma_wait3A_234] : memref<21x32x16384xf32, #tpu.memory_space<hbm>> -> memref<1x1x8192xf32, #tpu.memory_space<hbm>>
        %dma_wait3A_236 = tpu.memref_squeeze %dma_wait3A_235 : memref<1x1x8192xf32, #tpu.memory_space<hbm>> -> memref<8192xf32, #tpu.memory_space<hbm>>
        %dma_wait3A_237 = arith.constant 0 : i32
        %dma_wait3A_238 = tpu.memref_slice %arg3[%dma_wait3A_232, %dma_wait3A_233, %dma_wait3A_237] : memref<21x32x16384xf32, #tpu.memory_space<hbm>> -> memref<1x1x8192xf32, #tpu.memory_space<hbm>>
        %dma_wait3A_239 = tpu.memref_squeeze %dma_wait3A_238 : memref<1x1x8192xf32, #tpu.memory_space<hbm>> -> memref<8192xf32, #tpu.memory_space<hbm>>
        tpu.wait_dma2 semaphore(%arg13 : memref<!tpu.dma_semaphore, #tpu.memory_space<semaphore_mem>>) src(%arg5 : memref<8192xf32, #tpu.memory_space<vmem>>) dst(%dma_wait3A_239 : memref<8192xf32, #tpu.memory_space<hbm>>)
        %dma_wait3A_240 = arith.constant 0 : i32
        %dma_wait3A_241 = arith.constant 0 : i32
        %dma_wait3A_242 = arith.constant 0 : i32
        %dma_wait3A_243 = tpu.memref_slice %arg3[%dma_wait3A_240, %dma_wait3A_241, %dma_wait3A_242] : memref<21x32x16384xf32, #tpu.memory_space<hbm>> -> memref<1x1x8192xf32, #tpu.memory_space<hbm>>
        %dma_wait3A_244 = tpu.memref_squeeze %dma_wait3A_243 : memref<1x1x8192xf32, #tpu.memory_space<hbm>> -> memref<8192xf32, #tpu.memory_space<hbm>>
        %dma_wait3A_245 = arith.constant 0 : i32
        %dma_wait3A_246 = tpu.memref_slice %arg3[%dma_wait3A_240, %dma_wait3A_241, %dma_wait3A_245] : memref<21x32x16384xf32, #tpu.memory_space<hbm>> -> memref<1x1x8192xf32, #tpu.memory_space<hbm>>
        %dma_wait3A_247 = tpu.memref_squeeze %dma_wait3A_246 : memref<1x1x8192xf32, #tpu.memory_space<hbm>> -> memref<8192xf32, #tpu.memory_space<hbm>>
        tpu.wait_dma2 semaphore(%arg13 : memref<!tpu.dma_semaphore, #tpu.memory_space<semaphore_mem>>) src(%arg7 : memref<8192xf32, #tpu.memory_space<vmem>>) dst(%dma_wait3A_247 : memref<8192xf32, #tpu.memory_space<hbm>>)
      } else {
      }
      %add3A_203 = arith.constant 1 : i32
      %add3A_204 = arith.addi %mul3A_134, %add3A_203 : i32
      %scan3A_205 = arith.constant 0 : i32
      %scan3A_206 = arith.constant 0 : i32
      %scan3A_207 = arith.constant 512 : i32
      %scan3A_208 = arith.addi %scan3A_206, %scan3A_207 : i32
      %scan3A_209 = arith.constant 8 : i32
      %scan3A_210 = scf.for %scan3A_232 = %scan3A_206 to %scan3A_208 step %scan3A_209 iter_args(%scan3A_233 = %scan3A_205) -> (i32)  : i32 {
        %broadcast_in_dim3A_234 = arith.constant 0.000000e+00 : f32
        %broadcast_in_dim3A_235 = vector.broadcast %broadcast_in_dim3A_234 : f32 to vector<16xf32>
        %mul3A_236 = arith.constant 16 : i32
        %mul3A_237 = arith.muli %scan3A_232, %mul3A_236 : i32
        %swap3A = arith.index_cast %mul3A_237 : i32 to index
        %swap3A_238 = tpu.vector_load %arg5[%swap3A] {strides = array<i32>} : memref<8192xf32, #tpu.memory_space<vmem>>, vector<16xf32>,
        tpu.vector_store %arg5[%swap3A], %broadcast_in_dim3A_235 {strides = array<i32>} : memref<8192xf32, #tpu.memory_space<vmem>>, vector<16xf32>,
        %mul3A_239 = arith.constant 16 : i32
        %mul3A_240 = arith.muli %scan3A_232, %mul3A_239 : i32
        %swap3A_241 = arith.index_cast %mul3A_240 : i32 to index
        %swap3A_242 = tpu.vector_load %arg7[%swap3A_241] {strides = array<i32>} : memref<8192xf32, #tpu.memory_space<vmem>>, vector<16xf32>,
        tpu.vector_store %arg7[%swap3A_241], %broadcast_in_dim3A_235 {strides = array<i32>} : memref<8192xf32, #tpu.memory_space<vmem>>, vector<16xf32>,
        %scan3A_243 = arith.constant 0 : i32
        %scan3A_244 = arith.constant 1 : i32
        %scan3A_245 = arith.addi %scan3A_232, %scan3A_244 : i32
        %broadcast_in_dim3A_246 = arith.constant 0.000000e+00 : f32
        %broadcast_in_dim3A_247 = vector.broadcast %broadcast_in_dim3A_246 : f32 to vector<16xf32>
        %mul3A_248 = arith.constant 16 : i32
        %mul3A_249 = arith.muli %scan3A_245, %mul3A_248 : i32
        %swap3A_250 = arith.index_cast %mul3A_249 : i32 to index
        %swap3A_251 = tpu.vector_load %arg5[%swap3A_250] {strides = array<i32>} : memref<8192xf32, #tpu.memory_space<vmem>>, vector<16xf32>,
        tpu.vector_store %arg5[%swap3A_250], %broadcast_in_dim3A_247 {strides = array<i32>} : memref<8192xf32, #tpu.memory_space<vmem>>, vector<16xf32>,
        %mul3A_252 = arith.constant 16 : i32
        %mul3A_253 = arith.muli %scan3A_245, %mul3A_252 : i32
        %swap3A_254 = arith.index_cast %mul3A_253 : i32 to index
        %swap3A_255 = tpu.vector_load %arg7[%swap3A_254] {strides = array<i32>} : memref<8192xf32, #tpu.memory_space<vmem>>, vector<16xf32>,
        tpu.vector_store %arg7[%swap3A_254], %broadcast_in_dim3A_247 {strides = array<i32>} : memref<8192xf32, #tpu.memory_space<vmem>>, vector<16xf32>,
        %scan3A_256 = arith.constant 0 : i32
        %scan3A_257 = arith.constant 2 : i32
        %scan3A_258 = arith.addi %scan3A_232, %scan3A_257 : i32
        %broadcast_in_dim3A_259 = arith.constant 0.000000e+00 : f32
        %broadcast_in_dim3A_260 = vector.broadcast %broadcast_in_dim3A_259 : f32 to vector<16xf32>
        %mul3A_261 = arith.constant 16 : i32
        %mul3A_262 = arith.muli %scan3A_258, %mul3A_261 : i32
        %swap3A_263 = arith.index_cast %mul3A_262 : i32 to index
        %swap3A_264 = tpu.vector_load %arg5[%swap3A_263] {strides = array<i32>} : memref<8192xf32, #tpu.memory_space<vmem>>, vector<16xf32>,
        tpu.vector_store %arg5[%swap3A_263], %broadcast_in_dim3A_260 {strides = array<i32>} : memref<8192xf32, #tpu.memory_space<vmem>>, vector<16xf32>,
        %mul3A_265 = arith.constant 16 : i32
        %mul3A_266 = arith.muli %scan3A_258, %mul3A_265 : i32
        %swap3A_267 = arith.index_cast %mul3A_266 : i32 to index
        %swap3A_268 = tpu.vector_load %arg7[%swap3A_267] {strides = array<i32>} : memref<8192xf32, #tpu.memory_space<vmem>>, vector<16xf32>,
        tpu.vector_store %arg7[%swap3A_267], %broadcast_in_dim3A_260 {strides = array<i32>} : memref<8192xf32, #tpu.memory_space<vmem>>, vector<16xf32>,
        %scan3A_269 = arith.constant 0 : i32
        %scan3A_270 = arith.constant 3 : i32
        %scan3A_271 = arith.addi %scan3A_232, %scan3A_270 : i32
        %broadcast_in_dim3A_272 = arith.constant 0.000000e+00 : f32
        %broadcast_in_dim3A_273 = vector.broadcast %broadcast_in_dim3A_272 : f32 to vector<16xf32>
        %mul3A_274 = arith.constant 16 : i32
        %mul3A_275 = arith.muli %scan3A_271, %mul3A_274 : i32
        %swap3A_276 = arith.index_cast %mul3A_275 : i32 to index
        %swap3A_277 = tpu.vector_load %arg5[%swap3A_276] {strides = array<i32>} : memref<8192xf32, #tpu.memory_space<vmem>>, vector<16xf32>,
        tpu.vector_store %arg5[%swap3A_276], %broadcast_in_dim3A_273 {strides = array<i32>} : memref<8192xf32, #tpu.memory_space<vmem>>, vector<16xf32>,
        %mul3A_278 = arith.constant 16 : i32
        %mul3A_279 = arith.muli %scan3A_271, %mul3A_278 : i32
        %swap3A_280 = arith.index_cast %mul3A_279 : i32 to index
        %swap3A_281 = tpu.vector_load %arg7[%swap3A_280] {strides = array<i32>} : memref<8192xf32, #tpu.memory_space<vmem>>, vector<16xf32>,
        tpu.vector_store %arg7[%swap3A_280], %broadcast_in_dim3A_273 {strides = array<i32>} : memref<8192xf32, #tpu.memory_space<vmem>>, vector<16xf32>,
        %scan3A_282 = arith.constant 0 : i32
        %scan3A_283 = arith.constant 4 : i32
        %scan3A_284 = arith.addi %scan3A_232, %scan3A_283 : i32
        %broadcast_in_dim3A_285 = arith.constant 0.000000e+00 : f32
        %broadcast_in_dim3A_286 = vector.broadcast %broadcast_in_dim3A_285 : f32 to vector<16xf32>
        %mul3A_287 = arith.constant 16 : i32
        %mul3A_288 = arith.muli %scan3A_284, %mul3A_287 : i32
        %swap3A_289 = arith.index_cast %mul3A_288 : i32 to index
        %swap3A_290 = tpu.vector_load %arg5[%swap3A_289] {strides = array<i32>} : memref<8192xf32, #tpu.memory_space<vmem>>, vector<16xf32>,
        tpu.vector_store %arg5[%swap3A_289], %broadcast_in_dim3A_286 {strides = array<i32>} : memref<8192xf32, #tpu.memory_space<vmem>>, vector<16xf32>,
        %mul3A_291 = arith.constant 16 : i32
        %mul3A_292 = arith.muli %scan3A_284, %mul3A_291 : i32
        %swap3A_293 = arith.index_cast %mul3A_292 : i32 to index
        %swap3A_294 = tpu.vector_load %arg7[%swap3A_293] {strides = array<i32>} : memref<8192xf32, #tpu.memory_space<vmem>>, vector<16xf32>,
        tpu.vector_store %arg7[%swap3A_293], %broadcast_in_dim3A_286 {strides = array<i32>} : memref<8192xf32, #tpu.memory_space<vmem>>, vector<16xf32>,
        %scan3A_295 = arith.constant 0 : i32
        %scan3A_296 = arith.constant 5 : i32
        %scan3A_297 = arith.addi %scan3A_232, %scan3A_296 : i32
        %broadcast_in_dim3A_298 = arith.constant 0.000000e+00 : f32
        %broadcast_in_dim3A_299 = vector.broadcast %broadcast_in_dim3A_298 : f32 to vector<16xf32>
        %mul3A_300 = arith.constant 16 : i32
        %mul3A_301 = arith.muli %scan3A_297, %mul3A_300 : i32
        %swap3A_302 = arith.index_cast %mul3A_301 : i32 to index
        %swap3A_303 = tpu.vector_load %arg5[%swap3A_302] {strides = array<i32>} : memref<8192xf32, #tpu.memory_space<vmem>>, vector<16xf32>,
        tpu.vector_store %arg5[%swap3A_302], %broadcast_in_dim3A_299 {strides = array<i32>} : memref<8192xf32, #tpu.memory_space<vmem>>, vector<16xf32>,
        %mul3A_304 = arith.constant 16 : i32
        %mul3A_305 = arith.muli %scan3A_297, %mul3A_304 : i32
        %swap3A_306 = arith.index_cast %mul3A_305 : i32 to index
        %swap3A_307 = tpu.vector_load %arg7[%swap3A_306] {strides = array<i32>} : memref<8192xf32, #tpu.memory_space<vmem>>, vector<16xf32>,
        tpu.vector_store %arg7[%swap3A_306], %broadcast_in_dim3A_299 {strides = array<i32>} : memref<8192xf32, #tpu.memory_space<vmem>>, vector<16xf32>,
        %scan3A_308 = arith.constant 0 : i32
        %scan3A_309 = arith.constant 6 : i32
        %scan3A_310 = arith.addi %scan3A_232, %scan3A_309 : i32
        %broadcast_in_dim3A_311 = arith.constant 0.000000e+00 : f32
        %broadcast_in_dim3A_312 = vector.broadcast %broadcast_in_dim3A_311 : f32 to vector<16xf32>
        %mul3A_313 = arith.constant 16 : i32
        %mul3A_314 = arith.muli %scan3A_310, %mul3A_313 : i32
        %swap3A_315 = arith.index_cast %mul3A_314 : i32 to index
        %swap3A_316 = tpu.vector_load %arg5[%swap3A_315] {strides = array<i32>} : memref<8192xf32, #tpu.memory_space<vmem>>, vector<16xf32>,
        tpu.vector_store %arg5[%swap3A_315], %broadcast_in_dim3A_312 {strides = array<i32>} : memref<8192xf32, #tpu.memory_space<vmem>>, vector<16xf32>,
        %mul3A_317 = arith.constant 16 : i32
        %mul3A_318 = arith.muli %scan3A_310, %mul3A_317 : i32
        %swap3A_319 = arith.index_cast %mul3A_318 : i32 to index
        %swap3A_320 = tpu.vector_load %arg7[%swap3A_319] {strides = array<i32>} : memref<8192xf32, #tpu.memory_space<vmem>>, vector<16xf32>,
        tpu.vector_store %arg7[%swap3A_319], %broadcast_in_dim3A_312 {strides = array<i32>} : memref<8192xf32, #tpu.memory_space<vmem>>, vector<16xf32>,
        %scan3A_321 = arith.constant 0 : i32
        %scan3A_322 = arith.constant 7 : i32
        %scan3A_323 = arith.addi %scan3A_232, %scan3A_322 : i32
        %broadcast_in_dim3A_324 = arith.constant 0.000000e+00 : f32
        %broadcast_in_dim3A_325 = vector.broadcast %broadcast_in_dim3A_324 : f32 to vector<16xf32>
        %mul3A_326 = arith.constant 16 : i32
        %mul3A_327 = arith.muli %scan3A_323, %mul3A_326 : i32
        %swap3A_328 = arith.index_cast %mul3A_327 : i32 to index
        %swap3A_329 = tpu.vector_load %arg5[%swap3A_328] {strides = array<i32>} : memref<8192xf32, #tpu.memory_space<vmem>>, vector<16xf32>,
        tpu.vector_store %arg5[%swap3A_328], %broadcast_in_dim3A_325 {strides = array<i32>} : memref<8192xf32, #tpu.memory_space<vmem>>, vector<16xf32>,
        %mul3A_330 = arith.constant 16 : i32
        %mul3A_331 = arith.muli %scan3A_323, %mul3A_330 : i32
        %swap3A_332 = arith.index_cast %mul3A_331 : i32 to index
        %swap3A_333 = tpu.vector_load %arg7[%swap3A_332] {strides = array<i32>} : memref<8192xf32, #tpu.memory_space<vmem>>, vector<16xf32>,
        tpu.vector_store %arg7[%swap3A_332], %broadcast_in_dim3A_325 {strides = array<i32>} : memref<8192xf32, #tpu.memory_space<vmem>>, vector<16xf32>,
        %scan3A_334 = arith.constant 0 : i32
        scf.yield %scan3A_334 : i32
      }
      %scan3A_211 = arith.constant 512 : i32
      %scan3A_212 = arith.constant 0 : i32
      %scan3A_213 = arith.constant 0 : i32
      %scan3A_214 = arith.constant 256 : i32
      %scan3A_215 = arith.addi %scan3A_213, %scan3A_214 : i32
      %scan3A_216 = arith.constant 1 : i32
      %scan3A_217 = scf.for %scan3A_232 = %scan3A_213 to %scan3A_215 step %scan3A_216 iter_args(%scan3A_233 = %scan3A_212) -> (i32)  : i32 {
        %jit3A_234 = arith.constant 4 : i32
        %div3A_235 = arith.divsi %scan3A_232, %jit3A_234 : i32
        %sign3A_236 = arith.constant 0 : i32
        %sign3A_237 = arith.cmpi sgt, %scan3A_232, %sign3A_236 : i32
        %sign3A_238 = arith.extui %sign3A_237 : i1 to i32
        %sign3A_239 = arith.constant 0 : i32
        %sign3A_240 = arith.cmpi slt, %scan3A_232, %sign3A_239 : i32
        %sign3A_241 = arith.extui %sign3A_240 : i1 to i32
        %sign3A_242 = arith.subi %sign3A_238, %sign3A_241 : i32
        %sign3A_243 = arith.constant 0 : i32
        %sign3A_244 = arith.cmpi sgt, %jit3A_234, %sign3A_243 : i32
        %sign3A_245 = arith.extui %sign3A_244 : i1 to i32
        %sign3A_246 = arith.constant 0 : i32
        %sign3A_247 = arith.cmpi slt, %jit3A_234, %sign3A_246 : i32
        %sign3A_248 = arith.extui %sign3A_247 : i1 to i32
        %sign3A_249 = arith.subi %sign3A_245, %sign3A_248 : i32
        %ne3A_250 = arith.cmpi ne, %sign3A_242, %sign3A_249 : i32
        %rem3A_251 = arith.remsi %scan3A_232, %jit3A_234 : i32
        %ne3A_252 = arith.constant 0 : i32
        %ne3A_253 = arith.cmpi ne, %rem3A_251, %ne3A_252 : i32
        %and3A_254 = arith.andi %ne3A_250, %ne3A_253 : i1
        %sub3A_255 = arith.constant 1 : i32
        %sub3A_256 = arith.subi %div3A_235, %sub3A_255 : i32
        %select_n3A_257 = arith.select %and3A_254, %sub3A_256, %div3A_235 : i32
        %jit3A_258 = arith.constant 4 : i32
        %eq3A_259 = arith.constant 0 : i32
        %eq3A_260 = arith.cmpi eq, %jit3A_258, %eq3A_259 : i32
        %jit3A_261 = arith.constant 1 : i32
        %select_n3A_262 = arith.select %eq3A_260, %jit3A_261, %jit3A_258 : i32
        %rem3A_263 = arith.remsi %scan3A_232, %select_n3A_262 : i32
        %ne3A_264 = arith.constant 0 : i32
        %ne3A_265 = arith.cmpi ne, %rem3A_263, %ne3A_264 : i32
        %lt3A_266 = arith.constant 0 : i32
        %lt3A_267 = arith.cmpi slt, %rem3A_263, %lt3A_266 : i32
        %lt3A_268 = arith.constant 0 : i32
        %lt3A_269 = arith.cmpi slt, %select_n3A_262, %lt3A_268 : i32
        %ne3A_270 = arith.xori %lt3A_267, %lt3A_269 : i1
        %and3A_271 = arith.andi %ne3A_270, %ne3A_265 : i1
        %add3A_272 = arith.addi %rem3A_263, %select_n3A_262 : i32
        %select_n3A_273 = arith.select %and3A_271, %add3A_272, %rem3A_263 : i32
        %mul3A_274 = arith.constant 128 : i32
        %mul3A_275 = arith.muli %select_n3A_273, %mul3A_274 : i32
        %add3A_276 = arith.constant 0 : i32
        %add3A_277 = arith.addi %mul3A_275, %add3A_276 : i32
        %get3A = arith.index_cast %select_n3A_257 : i32 to index
        %get3A_278 = arith.index_cast %add3A_277 : i32 to index
        %get3A_279 = tpu.vector_load %arg9[%get3A, %get3A_278] {strides = array<i32>} : memref<64x512xi32, #tpu.memory_space<vmem>>, vector<16xi32>,
        %add3A_280 = arith.constant 16 : i32
        %add3A_281 = arith.addi %mul3A_275, %add3A_280 : i32
        %get3A_282 = arith.index_cast %select_n3A_257 : i32 to index
        %get3A_283 = arith.index_cast %add3A_281 : i32 to index
        %get3A_284 = tpu.vector_load %arg9[%get3A_282, %get3A_283] {strides = array<i32>} : memref<64x512xi32, #tpu.memory_space<vmem>>, vector<16xi32>,
        %add3A_285 = arith.constant 32 : i32
        %add3A_286 = arith.addi %mul3A_275, %add3A_285 : i32
        %get3A_287 = arith.index_cast %select_n3A_257 : i32 to index
        %get3A_288 = arith.index_cast %add3A_286 : i32 to index
        %get3A_289 = tpu.vector_load %arg9[%get3A_287, %get3A_288] {strides = array<i32>} : memref<64x512xi32, #tpu.memory_space<vmem>>, vector<16xi32>,
        %add3A_290 = arith.constant 48 : i32
        %add3A_291 = arith.addi %mul3A_275, %add3A_290 : i32
        %get3A_292 = arith.index_cast %select_n3A_257 : i32 to index
        %get3A_293 = arith.index_cast %add3A_291 : i32 to index
        %get3A_294 = tpu.vector_load %arg9[%get3A_292, %get3A_293] {strides = array<i32>} : memref<64x512xi32, #tpu.memory_space<vmem>>, vector<16xi32>,
        %add3A_295 = arith.constant 64 : i32
        %add3A_296 = arith.addi %mul3A_275, %add3A_295 : i32
        %get3A_297 = arith.index_cast %select_n3A_257 : i32 to index
        %get3A_298 = arith.index_cast %add3A_296 : i32 to index
        %get3A_299 = tpu.vector_load %arg9[%get3A_297, %get3A_298] {strides = array<i32>} : memref<64x512xi32, #tpu.memory_space<vmem>>, vector<16xi32>,
        %add3A_300 = arith.constant 80 : i32
        %add3A_301 = arith.addi %mul3A_275, %add3A_300 : i32
        %get3A_302 = arith.index_cast %select_n3A_257 : i32 to index
        %get3A_303 = arith.index_cast %add3A_301 : i32 to index
        %get3A_304 = tpu.vector_load %arg9[%get3A_302, %get3A_303] {strides = array<i32>} : memref<64x512xi32, #tpu.memory_space<vmem>>, vector<16xi32>,
        %add3A_305 = arith.constant 96 : i32
        %add3A_306 = arith.addi %mul3A_275, %add3A_305 : i32
        %get3A_307 = arith.index_cast %select_n3A_257 : i32 to index
        %get3A_308 = arith.index_cast %add3A_306 : i32 to index
        %get3A_309 = tpu.vector_load %arg9[%get3A_307, %get3A_308] {strides = array<i32>} : memref<64x512xi32, #tpu.memory_space<vmem>>, vector<16xi32>,
        %add3A_310 = arith.constant 112 : i32
        %add3A_311 = arith.addi %mul3A_275, %add3A_310 : i32
        %get3A_312 = arith.index_cast %select_n3A_257 : i32 to index
        %get3A_313 = arith.index_cast %add3A_311 : i32 to index
        %get3A_314 = tpu.vector_load %arg9[%get3A_312, %get3A_313] {strides = array<i32>} : memref<64x512xi32, #tpu.memory_space<vmem>>, vector<16xi32>,
        %shift_right_logical3A = arith.constant 18 : i32
        %shift_right_logical3A_315 = vector.broadcast %shift_right_logical3A : i32 to vector<16xi32>
        %shift_right_logical3A_316 = arith.shrui %get3A_279, %shift_right_logical3A_315 : vector<16xi32>
        %shift_right_logical3A_317 = arith.constant 18 : i32
        %shift_right_logical3A_318 = vector.broadcast %shift_right_logical3A_317 : i32 to vector<16xi32>
        %shift_right_logical3A_319 = arith.shrui %get3A_284, %shift_right_logical3A_318 : vector<16xi32>
        %shift_right_logical3A_320 = arith.constant 18 : i32
        %shift_right_logical3A_321 = vector.broadcast %shift_right_logical3A_320 : i32 to vector<16xi32>
        %shift_right_logical3A_322 = arith.shrui %get3A_289, %shift_right_logical3A_321 : vector<16xi32>
        %shift_right_logical3A_323 = arith.constant 18 : i32
        %shift_right_logical3A_324 = vector.broadcast %shift_right_logical3A_323 : i32 to vector<16xi32>
        %shift_right_logical3A_325 = arith.shrui %get3A_294, %shift_right_logical3A_324 : vector<16xi32>
        %shift_right_logical3A_326 = arith.constant 18 : i32
        %shift_right_logical3A_327 = vector.broadcast %shift_right_logical3A_326 : i32 to vector<16xi32>
        %shift_right_logical3A_328 = arith.shrui %get3A_299, %shift_right_logical3A_327 : vector<16xi32>
        %shift_right_logical3A_329 = arith.constant 18 : i32
        %shift_right_logical3A_330 = vector.broadcast %shift_right_logical3A_329 : i32 to vector<16xi32>
        %shift_right_logical3A_331 = arith.shrui %get3A_304, %shift_right_logical3A_330 : vector<16xi32>
        %shift_right_logical3A_332 = arith.constant 18 : i32
        %shift_right_logical3A_333 = vector.broadcast %shift_right_logical3A_332 : i32 to vector<16xi32>
        %shift_right_logical3A_334 = arith.shrui %get3A_309, %shift_right_logical3A_333 : vector<16xi32>
        %shift_right_logical3A_335 = arith.constant 18 : i32
        %shift_right_logical3A_336 = vector.broadcast %shift_right_logical3A_335 : i32 to vector<16xi32>
        %shift_right_logical3A_337 = arith.shrui %get3A_314, %shift_right_logical3A_336 : vector<16xi32>
        %and3A_338 = arith.constant 262143 : i32
        %and3A_339 = vector.broadcast %and3A_338 : i32 to vector<16xi32>
        %and3A_340 = arith.andi %get3A_279, %and3A_339 : vector<16xi32>
        %convert_element_type3A_341 = arith.sitofp %and3A_340 : vector<16xi32> to vector<16xf32>
        %and3A_342 = arith.constant 262143 : i32
        %and3A_343 = vector.broadcast %and3A_342 : i32 to vector<16xi32>
        %and3A_344 = arith.andi %get3A_284, %and3A_343 : vector<16xi32>
        %convert_element_type3A_345 = arith.sitofp %and3A_344 : vector<16xi32> to vector<16xf32>
        %and3A_346 = arith.constant 262143 : i32
        %and3A_347 = vector.broadcast %and3A_346 : i32 to vector<16xi32>
        %and3A_348 = arith.andi %get3A_289, %and3A_347 : vector<16xi32>
        %convert_element_type3A_349 = arith.sitofp %and3A_348 : vector<16xi32> to vector<16xf32>
        %and3A_350 = arith.constant 262143 : i32
        %and3A_351 = vector.broadcast %and3A_350 : i32 to vector<16xi32>
        %and3A_352 = arith.andi %get3A_294, %and3A_351 : vector<16xi32>
        %convert_element_type3A_353 = arith.sitofp %and3A_352 : vector<16xi32> to vector<16xf32>
        %and3A_354 = arith.constant 262143 : i32
        %and3A_355 = vector.broadcast %and3A_354 : i32 to vector<16xi32>
        %and3A_356 = arith.andi %get3A_299, %and3A_355 : vector<16xi32>
        %convert_element_type3A_357 = arith.sitofp %and3A_356 : vector<16xi32> to vector<16xf32>
        %and3A_358 = arith.constant 262143 : i32
        %and3A_359 = vector.broadcast %and3A_358 : i32 to vector<16xi32>
        %and3A_360 = arith.andi %get3A_304, %and3A_359 : vector<16xi32>
        %convert_element_type3A_361 = arith.sitofp %and3A_360 : vector<16xi32> to vector<16xf32>
        %and3A_362 = arith.constant 262143 : i32
        %and3A_363 = vector.broadcast %and3A_362 : i32 to vector<16xi32>
        %and3A_364 = arith.andi %get3A_309, %and3A_363 : vector<16xi32>
        %convert_element_type3A_365 = arith.sitofp %and3A_364 : vector<16xi32> to vector<16xf32>
        %and3A_366 = arith.constant 262143 : i32
        %and3A_367 = vector.broadcast %and3A_366 : i32 to vector<16xi32>
        %and3A_368 = arith.andi %get3A_314, %and3A_367 : vector<16xi32>
        %convert_element_type3A_369 = arith.sitofp %and3A_368 : vector<16xi32> to vector<16xf32>
        tpu.vector_store_idx %arg5[%shift_right_logical3A_316], %broadcast_in_dim3A_33 {add = true} : memref<8192xf32, #tpu.memory_space<vmem>>[vector<16xi32>], vector<16xf32>,
        tpu.vector_store_idx %arg5[%shift_right_logical3A_319], %broadcast_in_dim3A_33 {add = true} : memref<8192xf32, #tpu.memory_space<vmem>>[vector<16xi32>], vector<16xf32>,
        tpu.vector_store_idx %arg5[%shift_right_logical3A_322], %broadcast_in_dim3A_33 {add = true} : memref<8192xf32, #tpu.memory_space<vmem>>[vector<16xi32>], vector<16xf32>,
        tpu.vector_store_idx %arg5[%shift_right_logical3A_325], %broadcast_in_dim3A_33 {add = true} : memref<8192xf32, #tpu.memory_space<vmem>>[vector<16xi32>], vector<16xf32>,
        tpu.vector_store_idx %arg5[%shift_right_logical3A_328], %broadcast_in_dim3A_33 {add = true} : memref<8192xf32, #tpu.memory_space<vmem>>[vector<16xi32>], vector<16xf32>,
        tpu.vector_store_idx %arg5[%shift_right_logical3A_331], %broadcast_in_dim3A_33 {add = true} : memref<8192xf32, #tpu.memory_space<vmem>>[vector<16xi32>], vector<16xf32>,
        tpu.vector_store_idx %arg5[%shift_right_logical3A_334], %broadcast_in_dim3A_33 {add = true} : memref<8192xf32, #tpu.memory_space<vmem>>[vector<16xi32>], vector<16xf32>,
        tpu.vector_store_idx %arg5[%shift_right_logical3A_337], %broadcast_in_dim3A_33 {add = true} : memref<8192xf32, #tpu.memory_space<vmem>>[vector<16xi32>], vector<16xf32>,
        tpu.vector_store_idx %arg7[%shift_right_logical3A_316], %convert_element_type3A_341 {add = true} : memref<8192xf32, #tpu.memory_space<vmem>>[vector<16xi32>], vector<16xf32>,
        tpu.vector_store_idx %arg7[%shift_right_logical3A_319], %convert_element_type3A_345 {add = true} : memref<8192xf32, #tpu.memory_space<vmem>>[vector<16xi32>], vector<16xf32>,
        tpu.vector_store_idx %arg7[%shift_right_logical3A_322], %convert_element_type3A_349 {add = true} : memref<8192xf32, #tpu.memory_space<vmem>>[vector<16xi32>], vector<16xf32>,
        tpu.vector_store_idx %arg7[%shift_right_logical3A_325], %convert_element_type3A_353 {add = true} : memref<8192xf32, #tpu.memory_space<vmem>>[vector<16xi32>], vector<16xf32>,
        tpu.vector_store_idx %arg7[%shift_right_logical3A_328], %convert_element_type3A_357 {add = true} : memref<8192xf32, #tpu.memory_space<vmem>>[vector<16xi32>], vector<16xf32>,
        tpu.vector_store_idx %arg7[%shift_right_logical3A_331], %convert_element_type3A_361 {add = true} : memref<8192xf32, #tpu.memory_space<vmem>>[vector<16xi32>], vector<16xf32>,
        tpu.vector_store_idx %arg7[%shift_right_logical3A_334], %convert_element_type3A_365 {add = true} : memref<8192xf32, #tpu.memory_space<vmem>>[vector<16xi32>], vector<16xf32>,
        tpu.vector_store_idx %arg7[%shift_right_logical3A_337], %convert_element_type3A_369 {add = true} : memref<8192xf32, #tpu.memory_space<vmem>>[vector<16xi32>], vector<16xf32>,
        %scan3A_370 = arith.constant 0 : i32
        scf.yield %scan3A_370 : i32
      }
      %scan3A_218 = arith.constant 256 : i32
      %dma_start3A_219 = arith.constant 0 : i32
      %dma_start3A_220 = tpu.memref_slice %arg3[%add3A_204, %add3A, %dma_start3A_219] : memref<21x32x16384xf32, #tpu.memory_space<hbm>> -> memref<1x1x8192xf32, #tpu.memory_space<hbm>>
      %dma_start3A_221 = tpu.memref_squeeze %dma_start3A_220 : memref<1x1x8192xf32, #tpu.memory_space<hbm>> -> memref<8192xf32, #tpu.memory_space<hbm>>
      %dma_start3A_222 = arith.constant 0 : i32
      %dma_start3A_223 = tpu.memref_slice %arg3[%add3A_204, %add3A, %dma_start3A_222] : memref<21x32x16384xf32, #tpu.memory_space<hbm>> -> memref<1x1x8192xf32, #tpu.memory_space<hbm>>
      %dma_start3A_224 = tpu.memref_squeeze %dma_start3A_223 : memref<1x1x8192xf32, #tpu.memory_space<hbm>> -> memref<8192xf32, #tpu.memory_space<hbm>>
      tpu.enqueue_dma source(%arg5 : memref<8192xf32, #tpu.memory_space<vmem>>) target(%dma_start3A_224 : memref<8192xf32, #tpu.memory_space<hbm>>) target_semaphore(%arg13 : memref<!tpu.dma_semaphore, #tpu.memory_space<semaphore_mem>>)
      %dma_start3A_225 = arith.constant 8192 : i32
      %dma_start3A_226 = tpu.memref_slice %arg3[%add3A_204, %add3A, %dma_start3A_225] : memref<21x32x16384xf32, #tpu.memory_space<hbm>> -> memref<1x1x8192xf32, #tpu.memory_space<hbm>>
      %dma_start3A_227 = tpu.memref_squeeze %dma_start3A_226 : memref<1x1x8192xf32, #tpu.memory_space<hbm>> -> memref<8192xf32, #tpu.memory_space<hbm>>
      %dma_start3A_228 = arith.constant 8192 : i32
      %dma_start3A_229 = tpu.memref_slice %arg3[%add3A_204, %add3A, %dma_start3A_228] : memref<21x32x16384xf32, #tpu.memory_space<hbm>> -> memref<1x1x8192xf32, #tpu.memory_space<hbm>>
      %dma_start3A_230 = tpu.memref_squeeze %dma_start3A_229 : memref<1x1x8192xf32, #tpu.memory_space<hbm>> -> memref<8192xf32, #tpu.memory_space<hbm>>
      tpu.enqueue_dma source(%arg7 : memref<8192xf32, #tpu.memory_space<vmem>>) target(%dma_start3A_230 : memref<8192xf32, #tpu.memory_space<hbm>>) target_semaphore(%arg13 : memref<!tpu.dma_semaphore, #tpu.memory_space<semaphore_mem>>)
      %scan3A_231 = arith.constant 0 : i32
      scf.yield %scan3A_231 : i32
    }
    %scan3A_45 = arith.constant 10 : i32
    %dma_wait3A = arith.constant 0 : i32
    %dma_wait3A_46 = arith.constant 0 : i32
    %dma_wait3A_47 = arith.constant 0 : i32
    %dma_wait3A_48 = arith.constant 0 : i32
    %dma_wait3A_49 = tpu.memref_slice %arg2[%dma_wait3A, %dma_wait3A_46, %dma_wait3A_47, %dma_wait3A_48] : memref<21x4x512x512xi32, #tpu.memory_space<hbm>> -> memref<1x1x64x512xi32, #tpu.memory_space<hbm>>
    %dma_wait3A_50 = tpu.memref_squeeze %dma_wait3A_49 : memref<1x1x64x512xi32, #tpu.memory_space<hbm>> -> memref<64x512xi32, #tpu.memory_space<hbm>>
    %dma_wait3A_51 = arith.constant 0 : i32
    %dma_wait3A_52 = arith.constant 0 : i32
    %dma_wait3A_53 = tpu.memref_slice %arg2[%dma_wait3A, %dma_wait3A_46, %dma_wait3A_51, %dma_wait3A_52] : memref<21x4x512x512xi32, #tpu.memory_space<hbm>> -> memref<1x1x64x512xi32, #tpu.memory_space<hbm>>
    %dma_wait3A_54 = tpu.memref_squeeze %dma_wait3A_53 : memref<1x1x64x512xi32, #tpu.memory_space<hbm>> -> memref<64x512xi32, #tpu.memory_space<hbm>>
    tpu.wait_dma2 semaphore(%arg10 : memref<!tpu.dma_semaphore, #tpu.memory_space<semaphore_mem>>) src(%dma_wait3A_54 : memref<64x512xi32, #tpu.memory_space<hbm>>) dst(%arg8 : memref<64x512xi32, #tpu.memory_space<vmem>>)
    %dma_wait3A_55 = arith.constant 0 : i32
    %dma_wait3A_56 = arith.constant 0 : i32
    %dma_wait3A_57 = arith.constant 0 : i32
    %dma_wait3A_58 = tpu.memref_slice %arg3[%dma_wait3A_55, %dma_wait3A_56, %dma_wait3A_57] : memref<21x32x16384xf32, #tpu.memory_space<hbm>> -> memref<1x1x8192xf32, #tpu.memory_space<hbm>>
    %dma_wait3A_59 = tpu.memref_squeeze %dma_wait3A_58 : memref<1x1x8192xf32, #tpu.memory_space<hbm>> -> memref<8192xf32, #tpu.memory_space<hbm>>
    %dma_wait3A_60 = arith.constant 0 : i32
    %dma_wait3A_61 = tpu.memref_slice %arg3[%dma_wait3A_55, %dma_wait3A_56, %dma_wait3A_60] : memref<21x32x16384xf32, #tpu.memory_space<hbm>> -> memref<1x1x8192xf32, #tpu.memory_space<hbm>>
    %dma_wait3A_62 = tpu.memref_squeeze %dma_wait3A_61 : memref<1x1x8192xf32, #tpu.memory_space<hbm>> -> memref<8192xf32, #tpu.memory_space<hbm>>
    tpu.wait_dma2 semaphore(%arg12 : memref<!tpu.dma_semaphore, #tpu.memory_space<semaphore_mem>>) src(%arg4 : memref<8192xf32, #tpu.memory_space<vmem>>) dst(%dma_wait3A_62 : memref<8192xf32, #tpu.memory_space<hbm>>)
    %dma_wait3A_63 = arith.constant 0 : i32
    %dma_wait3A_64 = arith.constant 0 : i32
    %dma_wait3A_65 = arith.constant 0 : i32
    %dma_wait3A_66 = tpu.memref_slice %arg3[%dma_wait3A_63, %dma_wait3A_64, %dma_wait3A_65] : memref<21x32x16384xf32, #tpu.memory_space<hbm>> -> memref<1x1x8192xf32, #tpu.memory_space<hbm>>
    %dma_wait3A_67 = tpu.memref_squeeze %dma_wait3A_66 : memref<1x1x8192xf32, #tpu.memory_space<hbm>> -> memref<8192xf32, #tpu.memory_space<hbm>>
    %dma_wait3A_68 = arith.constant 0 : i32
    %dma_wait3A_69 = tpu.memref_slice %arg3[%dma_wait3A_63, %dma_wait3A_64, %dma_wait3A_68] : memref<21x32x16384xf32, #tpu.memory_space<hbm>> -> memref<1x1x8192xf32, #tpu.memory_space<hbm>>
    %dma_wait3A_70 = tpu.memref_squeeze %dma_wait3A_69 : memref<1x1x8192xf32, #tpu.memory_space<hbm>> -> memref<8192xf32, #tpu.memory_space<hbm>>
    tpu.wait_dma2 semaphore(%arg12 : memref<!tpu.dma_semaphore, #tpu.memory_space<semaphore_mem>>) src(%arg6 : memref<8192xf32, #tpu.memory_space<vmem>>) dst(%dma_wait3A_70 : memref<8192xf32, #tpu.memory_space<hbm>>)
    %scan3A_71 = arith.constant 0 : i32
    %scan3A_72 = arith.constant 0 : i32
    %scan3A_73 = arith.constant 512 : i32
    %scan3A_74 = arith.addi %scan3A_72, %scan3A_73 : i32
    %scan3A_75 = arith.constant 8 : i32
    %scan3A_76 = scf.for %scan3A_131 = %scan3A_72 to %scan3A_74 step %scan3A_75 iter_args(%scan3A_132 = %scan3A_71) -> (i32)  : i32 {
      %broadcast_in_dim3A_133 = arith.constant 0.000000e+00 : f32
      %broadcast_in_dim3A_134 = vector.broadcast %broadcast_in_dim3A_133 : f32 to vector<16xf32>
      %mul3A_135 = arith.constant 16 : i32
      %mul3A_136 = arith.muli %scan3A_131, %mul3A_135 : i32
      %swap3A = arith.index_cast %mul3A_136 : i32 to index
      %swap3A_137 = tpu.vector_load %arg4[%swap3A] {strides = array<i32>} : memref<8192xf32, #tpu.memory_space<vmem>>, vector<16xf32>,
      tpu.vector_store %arg4[%swap3A], %broadcast_in_dim3A_134 {strides = array<i32>} : memref<8192xf32, #tpu.memory_space<vmem>>, vector<16xf32>,
      %mul3A_138 = arith.constant 16 : i32
      %mul3A_139 = arith.muli %scan3A_131, %mul3A_138 : i32
      %swap3A_140 = arith.index_cast %mul3A_139 : i32 to index
      %swap3A_141 = tpu.vector_load %arg6[%swap3A_140] {strides = array<i32>} : memref<8192xf32, #tpu.memory_space<vmem>>, vector<16xf32>,
      tpu.vector_store %arg6[%swap3A_140], %broadcast_in_dim3A_134 {strides = array<i32>} : memref<8192xf32, #tpu.memory_space<vmem>>, vector<16xf32>,
      %scan3A_142 = arith.constant 0 : i32
      %scan3A_143 = arith.constant 1 : i32
      %scan3A_144 = arith.addi %scan3A_131, %scan3A_143 : i32
      %broadcast_in_dim3A_145 = arith.constant 0.000000e+00 : f32
      %broadcast_in_dim3A_146 = vector.broadcast %broadcast_in_dim3A_145 : f32 to vector<16xf32>
      %mul3A_147 = arith.constant 16 : i32
      %mul3A_148 = arith.muli %scan3A_144, %mul3A_147 : i32
      %swap3A_149 = arith.index_cast %mul3A_148 : i32 to index
      %swap3A_150 = tpu.vector_load %arg4[%swap3A_149] {strides = array<i32>} : memref<8192xf32, #tpu.memory_space<vmem>>, vector<16xf32>,
      tpu.vector_store %arg4[%swap3A_149], %broadcast_in_dim3A_146 {strides = array<i32>} : memref<8192xf32, #tpu.memory_space<vmem>>, vector<16xf32>,
      %mul3A_151 = arith.constant 16 : i32
      %mul3A_152 = arith.muli %scan3A_144, %mul3A_151 : i32
      %swap3A_153 = arith.index_cast %mul3A_152 : i32 to index
      %swap3A_154 = tpu.vector_load %arg6[%swap3A_153] {strides = array<i32>} : memref<8192xf32, #tpu.memory_space<vmem>>, vector<16xf32>,
      tpu.vector_store %arg6[%swap3A_153], %broadcast_in_dim3A_146 {strides = array<i32>} : memref<8192xf32, #tpu.memory_space<vmem>>, vector<16xf32>,
      %scan3A_155 = arith.constant 0 : i32
      %scan3A_156 = arith.constant 2 : i32
      %scan3A_157 = arith.addi %scan3A_131, %scan3A_156 : i32
      %broadcast_in_dim3A_158 = arith.constant 0.000000e+00 : f32
      %broadcast_in_dim3A_159 = vector.broadcast %broadcast_in_dim3A_158 : f32 to vector<16xf32>
      %mul3A_160 = arith.constant 16 : i32
      %mul3A_161 = arith.muli %scan3A_157, %mul3A_160 : i32
      %swap3A_162 = arith.index_cast %mul3A_161 : i32 to index
      %swap3A_163 = tpu.vector_load %arg4[%swap3A_162] {strides = array<i32>} : memref<8192xf32, #tpu.memory_space<vmem>>, vector<16xf32>,
      tpu.vector_store %arg4[%swap3A_162], %broadcast_in_dim3A_159 {strides = array<i32>} : memref<8192xf32, #tpu.memory_space<vmem>>, vector<16xf32>,
      %mul3A_164 = arith.constant 16 : i32
      %mul3A_165 = arith.muli %scan3A_157, %mul3A_164 : i32
      %swap3A_166 = arith.index_cast %mul3A_165 : i32 to index
      %swap3A_167 = tpu.vector_load %arg6[%swap3A_166] {strides = array<i32>} : memref<8192xf32, #tpu.memory_space<vmem>>, vector<16xf32>,
      tpu.vector_store %arg6[%swap3A_166], %broadcast_in_dim3A_159 {strides = array<i32>} : memref<8192xf32, #tpu.memory_space<vmem>>, vector<16xf32>,
      %scan3A_168 = arith.constant 0 : i32
      %scan3A_169 = arith.constant 3 : i32
      %scan3A_170 = arith.addi %scan3A_131, %scan3A_169 : i32
      %broadcast_in_dim3A_171 = arith.constant 0.000000e+00 : f32
      %broadcast_in_dim3A_172 = vector.broadcast %broadcast_in_dim3A_171 : f32 to vector<16xf32>
      %mul3A_173 = arith.constant 16 : i32
      %mul3A_174 = arith.muli %scan3A_170, %mul3A_173 : i32
      %swap3A_175 = arith.index_cast %mul3A_174 : i32 to index
      %swap3A_176 = tpu.vector_load %arg4[%swap3A_175] {strides = array<i32>} : memref<8192xf32, #tpu.memory_space<vmem>>, vector<16xf32>,
      tpu.vector_store %arg4[%swap3A_175], %broadcast_in_dim3A_172 {strides = array<i32>} : memref<8192xf32, #tpu.memory_space<vmem>>, vector<16xf32>,
      %mul3A_177 = arith.constant 16 : i32
      %mul3A_178 = arith.muli %scan3A_170, %mul3A_177 : i32
      %swap3A_179 = arith.index_cast %mul3A_178 : i32 to index
      %swap3A_180 = tpu.vector_load %arg6[%swap3A_179] {strides = array<i32>} : memref<8192xf32, #tpu.memory_space<vmem>>, vector<16xf32>,
      tpu.vector_store %arg6[%swap3A_179], %broadcast_in_dim3A_172 {strides = array<i32>} : memref<8192xf32, #tpu.memory_space<vmem>>, vector<16xf32>,
      %scan3A_181 = arith.constant 0 : i32
      %scan3A_182 = arith.constant 4 : i32
      %scan3A_183 = arith.addi %scan3A_131, %scan3A_182 : i32
      %broadcast_in_dim3A_184 = arith.constant 0.000000e+00 : f32
      %broadcast_in_dim3A_185 = vector.broadcast %broadcast_in_dim3A_184 : f32 to vector<16xf32>
      %mul3A_186 = arith.constant 16 : i32
      %mul3A_187 = arith.muli %scan3A_183, %mul3A_186 : i32
      %swap3A_188 = arith.index_cast %mul3A_187 : i32 to index
      %swap3A_189 = tpu.vector_load %arg4[%swap3A_188] {strides = array<i32>} : memref<8192xf32, #tpu.memory_space<vmem>>, vector<16xf32>,
      tpu.vector_store %arg4[%swap3A_188], %broadcast_in_dim3A_185 {strides = array<i32>} : memref<8192xf32, #tpu.memory_space<vmem>>, vector<16xf32>,
      %mul3A_190 = arith.constant 16 : i32
      %mul3A_191 = arith.muli %scan3A_183, %mul3A_190 : i32
      %swap3A_192 = arith.index_cast %mul3A_191 : i32 to index
      %swap3A_193 = tpu.vector_load %arg6[%swap3A_192] {strides = array<i32>} : memref<8192xf32, #tpu.memory_space<vmem>>, vector<16xf32>,
      tpu.vector_store %arg6[%swap3A_192], %broadcast_in_dim3A_185 {strides = array<i32>} : memref<8192xf32, #tpu.memory_space<vmem>>, vector<16xf32>,
      %scan3A_194 = arith.constant 0 : i32
      %scan3A_195 = arith.constant 5 : i32
      %scan3A_196 = arith.addi %scan3A_131, %scan3A_195 : i32
      %broadcast_in_dim3A_197 = arith.constant 0.000000e+00 : f32
      %broadcast_in_dim3A_198 = vector.broadcast %broadcast_in_dim3A_197 : f32 to vector<16xf32>
      %mul3A_199 = arith.constant 16 : i32
      %mul3A_200 = arith.muli %scan3A_196, %mul3A_199 : i32
      %swap3A_201 = arith.index_cast %mul3A_200 : i32 to index
      %swap3A_202 = tpu.vector_load %arg4[%swap3A_201] {strides = array<i32>} : memref<8192xf32, #tpu.memory_space<vmem>>, vector<16xf32>,
      tpu.vector_store %arg4[%swap3A_201], %broadcast_in_dim3A_198 {strides = array<i32>} : memref<8192xf32, #tpu.memory_space<vmem>>, vector<16xf32>,
      %mul3A_203 = arith.constant 16 : i32
      %mul3A_204 = arith.muli %scan3A_196, %mul3A_203 : i32
      %swap3A_205 = arith.index_cast %mul3A_204 : i32 to index
      %swap3A_206 = tpu.vector_load %arg6[%swap3A_205] {strides = array<i32>} : memref<8192xf32, #tpu.memory_space<vmem>>, vector<16xf32>,
      tpu.vector_store %arg6[%swap3A_205], %broadcast_in_dim3A_198 {strides = array<i32>} : memref<8192xf32, #tpu.memory_space<vmem>>, vector<16xf32>,
      %scan3A_207 = arith.constant 0 : i32
      %scan3A_208 = arith.constant 6 : i32
      %scan3A_209 = arith.addi %scan3A_131, %scan3A_208 : i32
      %broadcast_in_dim3A_210 = arith.constant 0.000000e+00 : f32
      %broadcast_in_dim3A_211 = vector.broadcast %broadcast_in_dim3A_210 : f32 to vector<16xf32>
      %mul3A_212 = arith.constant 16 : i32
      %mul3A_213 = arith.muli %scan3A_209, %mul3A_212 : i32
      %swap3A_214 = arith.index_cast %mul3A_213 : i32 to index
      %swap3A_215 = tpu.vector_load %arg4[%swap3A_214] {strides = array<i32>} : memref<8192xf32, #tpu.memory_space<vmem>>, vector<16xf32>,
      tpu.vector_store %arg4[%swap3A_214], %broadcast_in_dim3A_211 {strides = array<i32>} : memref<8192xf32, #tpu.memory_space<vmem>>, vector<16xf32>,
      %mul3A_216 = arith.constant 16 : i32
      %mul3A_217 = arith.muli %scan3A_209, %mul3A_216 : i32
      %swap3A_218 = arith.index_cast %mul3A_217 : i32 to index
      %swap3A_219 = tpu.vector_load %arg6[%swap3A_218] {strides = array<i32>} : memref<8192xf32, #tpu.memory_space<vmem>>, vector<16xf32>,
      tpu.vector_store %arg6[%swap3A_218], %broadcast_in_dim3A_211 {strides = array<i32>} : memref<8192xf32, #tpu.memory_space<vmem>>, vector<16xf32>,
      %scan3A_220 = arith.constant 0 : i32
      %scan3A_221 = arith.constant 7 : i32
      %scan3A_222 = arith.addi %scan3A_131, %scan3A_221 : i32
      %broadcast_in_dim3A_223 = arith.constant 0.000000e+00 : f32
      %broadcast_in_dim3A_224 = vector.broadcast %broadcast_in_dim3A_223 : f32 to vector<16xf32>
      %mul3A_225 = arith.constant 16 : i32
      %mul3A_226 = arith.muli %scan3A_222, %mul3A_225 : i32
      %swap3A_227 = arith.index_cast %mul3A_226 : i32 to index
      %swap3A_228 = tpu.vector_load %arg4[%swap3A_227] {strides = array<i32>} : memref<8192xf32, #tpu.memory_space<vmem>>, vector<16xf32>,
      tpu.vector_store %arg4[%swap3A_227], %broadcast_in_dim3A_224 {strides = array<i32>} : memref<8192xf32, #tpu.memory_space<vmem>>, vector<16xf32>,
      %mul3A_229 = arith.constant 16 : i32
      %mul3A_230 = arith.muli %scan3A_222, %mul3A_229 : i32
      %swap3A_231 = arith.index_cast %mul3A_230 : i32 to index
      %swap3A_232 = tpu.vector_load %arg6[%swap3A_231] {strides = array<i32>} : memref<8192xf32, #tpu.memory_space<vmem>>, vector<16xf32>,
      tpu.vector_store %arg6[%swap3A_231], %broadcast_in_dim3A_224 {strides = array<i32>} : memref<8192xf32, #tpu.memory_space<vmem>>, vector<16xf32>,
      %scan3A_233 = arith.constant 0 : i32
      scf.yield %scan3A_233 : i32
    }
    %scan3A_77 = arith.constant 512 : i32
    %scan3A_78 = arith.constant 0 : i32
    %scan3A_79 = arith.constant 0 : i32
    %scan3A_80 = arith.constant 256 : i32
    %scan3A_81 = arith.addi %scan3A_79, %scan3A_80 : i32
    %scan3A_82 = arith.constant 1 : i32
    %scan3A_83 = scf.for %scan3A_131 = %scan3A_79 to %scan3A_81 step %scan3A_82 iter_args(%scan3A_132 = %scan3A_78) -> (i32)  : i32 {
      %jit3A_133 = arith.constant 4 : i32
      %div3A_134 = arith.divsi %scan3A_131, %jit3A_133 : i32
      %sign3A_135 = arith.constant 0 : i32
      %sign3A_136 = arith.cmpi sgt, %scan3A_131, %sign3A_135 : i32
      %sign3A_137 = arith.extui %sign3A_136 : i1 to i32
      %sign3A_138 = arith.constant 0 : i32
      %sign3A_139 = arith.cmpi slt, %scan3A_131, %sign3A_138 : i32
      %sign3A_140 = arith.extui %sign3A_139 : i1 to i32
      %sign3A_141 = arith.subi %sign3A_137, %sign3A_140 : i32
      %sign3A_142 = arith.constant 0 : i32
      %sign3A_143 = arith.cmpi sgt, %jit3A_133, %sign3A_142 : i32
      %sign3A_144 = arith.extui %sign3A_143 : i1 to i32
      %sign3A_145 = arith.constant 0 : i32
      %sign3A_146 = arith.cmpi slt, %jit3A_133, %sign3A_145 : i32
      %sign3A_147 = arith.extui %sign3A_146 : i1 to i32
      %sign3A_148 = arith.subi %sign3A_144, %sign3A_147 : i32
      %ne3A_149 = arith.cmpi ne, %sign3A_141, %sign3A_148 : i32
      %rem3A_150 = arith.remsi %scan3A_131, %jit3A_133 : i32
      %ne3A_151 = arith.constant 0 : i32
      %ne3A_152 = arith.cmpi ne, %rem3A_150, %ne3A_151 : i32
      %and3A_153 = arith.andi %ne3A_149, %ne3A_152 : i1
      %sub3A_154 = arith.constant 1 : i32
      %sub3A_155 = arith.subi %div3A_134, %sub3A_154 : i32
      %select_n3A_156 = arith.select %and3A_153, %sub3A_155, %div3A_134 : i32
      %jit3A_157 = arith.constant 4 : i32
      %eq3A_158 = arith.constant 0 : i32
      %eq3A_159 = arith.cmpi eq, %jit3A_157, %eq3A_158 : i32
      %jit3A_160 = arith.constant 1 : i32
      %select_n3A_161 = arith.select %eq3A_159, %jit3A_160, %jit3A_157 : i32
      %rem3A_162 = arith.remsi %scan3A_131, %select_n3A_161 : i32
      %ne3A_163 = arith.constant 0 : i32
      %ne3A_164 = arith.cmpi ne, %rem3A_162, %ne3A_163 : i32
      %lt3A_165 = arith.constant 0 : i32
      %lt3A_166 = arith.cmpi slt, %rem3A_162, %lt3A_165 : i32
      %lt3A_167 = arith.constant 0 : i32
      %lt3A_168 = arith.cmpi slt, %select_n3A_161, %lt3A_167 : i32
      %ne3A_169 = arith.xori %lt3A_166, %lt3A_168 : i1
      %and3A_170 = arith.andi %ne3A_169, %ne3A_164 : i1
      %add3A_171 = arith.addi %rem3A_162, %select_n3A_161 : i32
      %select_n3A_172 = arith.select %and3A_170, %add3A_171, %rem3A_162 : i32
      %mul3A_173 = arith.constant 128 : i32
      %mul3A_174 = arith.muli %select_n3A_172, %mul3A_173 : i32
      %add3A_175 = arith.constant 0 : i32
      %add3A_176 = arith.addi %mul3A_174, %add3A_175 : i32
      %get3A = arith.index_cast %select_n3A_156 : i32 to index
      %get3A_177 = arith.index_cast %add3A_176 : i32 to index
      %get3A_178 = tpu.vector_load %arg8[%get3A, %get3A_177] {strides = array<i32>} : memref<64x512xi32, #tpu.memory_space<vmem>>, vector<16xi32>,
      %add3A_179 = arith.constant 16 : i32
      %add3A_180 = arith.addi %mul3A_174, %add3A_179 : i32
      %get3A_181 = arith.index_cast %select_n3A_156 : i32 to index
      %get3A_182 = arith.index_cast %add3A_180 : i32 to index
      %get3A_183 = tpu.vector_load %arg8[%get3A_181, %get3A_182] {strides = array<i32>} : memref<64x512xi32, #tpu.memory_space<vmem>>, vector<16xi32>,
      %add3A_184 = arith.constant 32 : i32
      %add3A_185 = arith.addi %mul3A_174, %add3A_184 : i32
      %get3A_186 = arith.index_cast %select_n3A_156 : i32 to index
      %get3A_187 = arith.index_cast %add3A_185 : i32 to index
      %get3A_188 = tpu.vector_load %arg8[%get3A_186, %get3A_187] {strides = array<i32>} : memref<64x512xi32, #tpu.memory_space<vmem>>, vector<16xi32>,
      %add3A_189 = arith.constant 48 : i32
      %add3A_190 = arith.addi %mul3A_174, %add3A_189 : i32
      %get3A_191 = arith.index_cast %select_n3A_156 : i32 to index
      %get3A_192 = arith.index_cast %add3A_190 : i32 to index
      %get3A_193 = tpu.vector_load %arg8[%get3A_191, %get3A_192] {strides = array<i32>} : memref<64x512xi32, #tpu.memory_space<vmem>>, vector<16xi32>,
      %add3A_194 = arith.constant 64 : i32
      %add3A_195 = arith.addi %mul3A_174, %add3A_194 : i32
      %get3A_196 = arith.index_cast %select_n3A_156 : i32 to index
      %get3A_197 = arith.index_cast %add3A_195 : i32 to index
      %get3A_198 = tpu.vector_load %arg8[%get3A_196, %get3A_197] {strides = array<i32>} : memref<64x512xi32, #tpu.memory_space<vmem>>, vector<16xi32>,
      %add3A_199 = arith.constant 80 : i32
      %add3A_200 = arith.addi %mul3A_174, %add3A_199 : i32
      %get3A_201 = arith.index_cast %select_n3A_156 : i32 to index
      %get3A_202 = arith.index_cast %add3A_200 : i32 to index
      %get3A_203 = tpu.vector_load %arg8[%get3A_201, %get3A_202] {strides = array<i32>} : memref<64x512xi32, #tpu.memory_space<vmem>>, vector<16xi32>,
      %add3A_204 = arith.constant 96 : i32
      %add3A_205 = arith.addi %mul3A_174, %add3A_204 : i32
      %get3A_206 = arith.index_cast %select_n3A_156 : i32 to index
      %get3A_207 = arith.index_cast %add3A_205 : i32 to index
      %get3A_208 = tpu.vector_load %arg8[%get3A_206, %get3A_207] {strides = array<i32>} : memref<64x512xi32, #tpu.memory_space<vmem>>, vector<16xi32>,
      %add3A_209 = arith.constant 112 : i32
      %add3A_210 = arith.addi %mul3A_174, %add3A_209 : i32
      %get3A_211 = arith.index_cast %select_n3A_156 : i32 to index
      %get3A_212 = arith.index_cast %add3A_210 : i32 to index
      %get3A_213 = tpu.vector_load %arg8[%get3A_211, %get3A_212] {strides = array<i32>} : memref<64x512xi32, #tpu.memory_space<vmem>>, vector<16xi32>,
      %shift_right_logical3A = arith.constant 18 : i32
      %shift_right_logical3A_214 = vector.broadcast %shift_right_logical3A : i32 to vector<16xi32>
      %shift_right_logical3A_215 = arith.shrui %get3A_178, %shift_right_logical3A_214 : vector<16xi32>
      %shift_right_logical3A_216 = arith.constant 18 : i32
      %shift_right_logical3A_217 = vector.broadcast %shift_right_logical3A_216 : i32 to vector<16xi32>
      %shift_right_logical3A_218 = arith.shrui %get3A_183, %shift_right_logical3A_217 : vector<16xi32>
      %shift_right_logical3A_219 = arith.constant 18 : i32
      %shift_right_logical3A_220 = vector.broadcast %shift_right_logical3A_219 : i32 to vector<16xi32>
      %shift_right_logical3A_221 = arith.shrui %get3A_188, %shift_right_logical3A_220 : vector<16xi32>
      %shift_right_logical3A_222 = arith.constant 18 : i32
      %shift_right_logical3A_223 = vector.broadcast %shift_right_logical3A_222 : i32 to vector<16xi32>
      %shift_right_logical3A_224 = arith.shrui %get3A_193, %shift_right_logical3A_223 : vector<16xi32>
      %shift_right_logical3A_225 = arith.constant 18 : i32
      %shift_right_logical3A_226 = vector.broadcast %shift_right_logical3A_225 : i32 to vector<16xi32>
      %shift_right_logical3A_227 = arith.shrui %get3A_198, %shift_right_logical3A_226 : vector<16xi32>
      %shift_right_logical3A_228 = arith.constant 18 : i32
      %shift_right_logical3A_229 = vector.broadcast %shift_right_logical3A_228 : i32 to vector<16xi32>
      %shift_right_logical3A_230 = arith.shrui %get3A_203, %shift_right_logical3A_229 : vector<16xi32>
      %shift_right_logical3A_231 = arith.constant 18 : i32
      %shift_right_logical3A_232 = vector.broadcast %shift_right_logical3A_231 : i32 to vector<16xi32>
      %shift_right_logical3A_233 = arith.shrui %get3A_208, %shift_right_logical3A_232 : vector<16xi32>
      %shift_right_logical3A_234 = arith.constant 18 : i32
      %shift_right_logical3A_235 = vector.broadcast %shift_right_logical3A_234 : i32 to vector<16xi32>
      %shift_right_logical3A_236 = arith.shrui %get3A_213, %shift_right_logical3A_235 : vector<16xi32>
      %and3A_237 = arith.constant 262143 : i32
      %and3A_238 = vector.broadcast %and3A_237 : i32 to vector<16xi32>
      %and3A_239 = arith.andi %get3A_178, %and3A_238 : vector<16xi32>
      %convert_element_type3A = arith.sitofp %and3A_239 : vector<16xi32> to vector<16xf32>
      %and3A_240 = arith.constant 262143 : i32
      %and3A_241 = vector.broadcast %and3A_240 : i32 to vector<16xi32>
      %and3A_242 = arith.andi %get3A_183, %and3A_241 : vector<16xi32>
      %convert_element_type3A_243 = arith.sitofp %and3A_242 : vector<16xi32> to vector<16xf32>
      %and3A_244 = arith.constant 262143 : i32
      %and3A_245 = vector.broadcast %and3A_244 : i32 to vector<16xi32>
      %and3A_246 = arith.andi %get3A_188, %and3A_245 : vector<16xi32>
      %convert_element_type3A_247 = arith.sitofp %and3A_246 : vector<16xi32> to vector<16xf32>
      %and3A_248 = arith.constant 262143 : i32
      %and3A_249 = vector.broadcast %and3A_248 : i32 to vector<16xi32>
      %and3A_250 = arith.andi %get3A_193, %and3A_249 : vector<16xi32>
      %convert_element_type3A_251 = arith.sitofp %and3A_250 : vector<16xi32> to vector<16xf32>
      %and3A_252 = arith.constant 262143 : i32
      %and3A_253 = vector.broadcast %and3A_252 : i32 to vector<16xi32>
      %and3A_254 = arith.andi %get3A_198, %and3A_253 : vector<16xi32>
      %convert_element_type3A_255 = arith.sitofp %and3A_254 : vector<16xi32> to vector<16xf32>
      %and3A_256 = arith.constant 262143 : i32
      %and3A_257 = vector.broadcast %and3A_256 : i32 to vector<16xi32>
      %and3A_258 = arith.andi %get3A_203, %and3A_257 : vector<16xi32>
      %convert_element_type3A_259 = arith.sitofp %and3A_258 : vector<16xi32> to vector<16xf32>
      %and3A_260 = arith.constant 262143 : i32
      %and3A_261 = vector.broadcast %and3A_260 : i32 to vector<16xi32>
      %and3A_262 = arith.andi %get3A_208, %and3A_261 : vector<16xi32>
      %convert_element_type3A_263 = arith.sitofp %and3A_262 : vector<16xi32> to vector<16xf32>
      %and3A_264 = arith.constant 262143 : i32
      %and3A_265 = vector.broadcast %and3A_264 : i32 to vector<16xi32>
      %and3A_266 = arith.andi %get3A_213, %and3A_265 : vector<16xi32>
      %convert_element_type3A_267 = arith.sitofp %and3A_266 : vector<16xi32> to vector<16xf32>
      tpu.vector_store_idx %arg4[%shift_right_logical3A_215], %broadcast_in_dim3A_33 {add = true} : memref<8192xf32, #tpu.memory_space<vmem>>[vector<16xi32>], vector<16xf32>,
      tpu.vector_store_idx %arg4[%shift_right_logical3A_218], %broadcast_in_dim3A_33 {add = true} : memref<8192xf32, #tpu.memory_space<vmem>>[vector<16xi32>], vector<16xf32>,
      tpu.vector_store_idx %arg4[%shift_right_logical3A_221], %broadcast_in_dim3A_33 {add = true} : memref<8192xf32, #tpu.memory_space<vmem>>[vector<16xi32>], vector<16xf32>,
      tpu.vector_store_idx %arg4[%shift_right_logical3A_224], %broadcast_in_dim3A_33 {add = true} : memref<8192xf32, #tpu.memory_space<vmem>>[vector<16xi32>], vector<16xf32>,
      tpu.vector_store_idx %arg4[%shift_right_logical3A_227], %broadcast_in_dim3A_33 {add = true} : memref<8192xf32, #tpu.memory_space<vmem>>[vector<16xi32>], vector<16xf32>,
      tpu.vector_store_idx %arg4[%shift_right_logical3A_230], %broadcast_in_dim3A_33 {add = true} : memref<8192xf32, #tpu.memory_space<vmem>>[vector<16xi32>], vector<16xf32>,
      tpu.vector_store_idx %arg4[%shift_right_logical3A_233], %broadcast_in_dim3A_33 {add = true} : memref<8192xf32, #tpu.memory_space<vmem>>[vector<16xi32>], vector<16xf32>,
      tpu.vector_store_idx %arg4[%shift_right_logical3A_236], %broadcast_in_dim3A_33 {add = true} : memref<8192xf32, #tpu.memory_space<vmem>>[vector<16xi32>], vector<16xf32>,
      tpu.vector_store_idx %arg6[%shift_right_logical3A_215], %convert_element_type3A {add = true} : memref<8192xf32, #tpu.memory_space<vmem>>[vector<16xi32>], vector<16xf32>,
      tpu.vector_store_idx %arg6[%shift_right_logical3A_218], %convert_element_type3A_243 {add = true} : memref<8192xf32, #tpu.memory_space<vmem>>[vector<16xi32>], vector<16xf32>,
      tpu.vector_store_idx %arg6[%shift_right_logical3A_221], %convert_element_type3A_247 {add = true} : memref<8192xf32, #tpu.memory_space<vmem>>[vector<16xi32>], vector<16xf32>,
      tpu.vector_store_idx %arg6[%shift_right_logical3A_224], %convert_element_type3A_251 {add = true} : memref<8192xf32, #tpu.memory_space<vmem>>[vector<16xi32>], vector<16xf32>,
      tpu.vector_store_idx %arg6[%shift_right_logical3A_227], %convert_element_type3A_255 {add = true} : memref<8192xf32, #tpu.memory_space<vmem>>[vector<16xi32>], vector<16xf32>,
      tpu.vector_store_idx %arg6[%shift_right_logical3A_230], %convert_element_type3A_259 {add = true} : memref<8192xf32, #tpu.memory_space<vmem>>[vector<16xi32>], vector<16xf32>,
      tpu.vector_store_idx %arg6[%shift_right_logical3A_233], %convert_element_type3A_263 {add = true} : memref<8192xf32, #tpu.memory_space<vmem>>[vector<16xi32>], vector<16xf32>,
      tpu.vector_store_idx %arg6[%shift_right_logical3A_236], %convert_element_type3A_267 {add = true} : memref<8192xf32, #tpu.memory_space<vmem>>[vector<16xi32>], vector<16xf32>,
      %scan3A_268 = arith.constant 0 : i32
      scf.yield %scan3A_268 : i32
    }
    %scan3A_84 = arith.constant 256 : i32
    %dma_start3A_85 = arith.constant 20 : i32
    %dma_start3A_86 = arith.constant 0 : i32
    %dma_start3A_87 = tpu.memref_slice %arg3[%dma_start3A_85, %add3A, %dma_start3A_86] : memref<21x32x16384xf32, #tpu.memory_space<hbm>> -> memref<1x1x8192xf32, #tpu.memory_space<hbm>>
    %dma_start3A_88 = tpu.memref_squeeze %dma_start3A_87 : memref<1x1x8192xf32, #tpu.memory_space<hbm>> -> memref<8192xf32, #tpu.memory_space<hbm>>
    %dma_start3A_89 = arith.constant 0 : i32
    %dma_start3A_90 = tpu.memref_slice %arg3[%dma_start3A_85, %add3A, %dma_start3A_89] : memref<21x32x16384xf32, #tpu.memory_space<hbm>> -> memref<1x1x8192xf32, #tpu.memory_space<hbm>>
    %dma_start3A_91 = tpu.memref_squeeze %dma_start3A_90 : memref<1x1x8192xf32, #tpu.memory_space<hbm>> -> memref<8192xf32, #tpu.memory_space<hbm>>
    tpu.enqueue_dma source(%arg4 : memref<8192xf32, #tpu.memory_space<vmem>>) target(%dma_start3A_91 : memref<8192xf32, #tpu.memory_space<hbm>>) target_semaphore(%arg12 : memref<!tpu.dma_semaphore, #tpu.memory_space<semaphore_mem>>)
    %dma_start3A_92 = arith.constant 20 : i32
    %dma_start3A_93 = arith.constant 8192 : i32
    %dma_start3A_94 = tpu.memref_slice %arg3[%dma_start3A_92, %add3A, %dma_start3A_93] : memref<21x32x16384xf32, #tpu.memory_space<hbm>> -> memref<1x1x8192xf32, #tpu.memory_space<hbm>>
    %dma_start3A_95 = tpu.memref_squeeze %dma_start3A_94 : memref<1x1x8192xf32, #tpu.memory_space<hbm>> -> memref<8192xf32, #tpu.memory_space<hbm>>
    %dma_start3A_96 = arith.constant 8192 : i32
    %dma_start3A_97 = tpu.memref_slice %arg3[%dma_start3A_92, %add3A, %dma_start3A_96] : memref<21x32x16384xf32, #tpu.memory_space<hbm>> -> memref<1x1x8192xf32, #tpu.memory_space<hbm>>
    %dma_start3A_98 = tpu.memref_squeeze %dma_start3A_97 : memref<1x1x8192xf32, #tpu.memory_space<hbm>> -> memref<8192xf32, #tpu.memory_space<hbm>>
    tpu.enqueue_dma source(%arg6 : memref<8192xf32, #tpu.memory_space<vmem>>) target(%dma_start3A_98 : memref<8192xf32, #tpu.memory_space<hbm>>) target_semaphore(%arg12 : memref<!tpu.dma_semaphore, #tpu.memory_space<semaphore_mem>>)
    %dma_wait3A_99 = arith.constant 0 : i32
    %dma_wait3A_100 = arith.constant 0 : i32
    %dma_wait3A_101 = arith.constant 0 : i32
    %dma_wait3A_102 = tpu.memref_slice %arg3[%dma_wait3A_99, %dma_wait3A_100, %dma_wait3A_101] : memref<21x32x16384xf32, #tpu.memory_space<hbm>> -> memref<1x1x8192xf32, #tpu.memory_space<hbm>>
    %dma_wait3A_103 = tpu.memref_squeeze %dma_wait3A_102 : memref<1x1x8192xf32, #tpu.memory_space<hbm>> -> memref<8192xf32, #tpu.memory_space<hbm>>
    %dma_wait3A_104 = arith.constant 0 : i32
    %dma_wait3A_105 = tpu.memref_slice %arg3[%dma_wait3A_99, %dma_wait3A_100, %dma_wait3A_104] : memref<21x32x16384xf32, #tpu.memory_space<hbm>> -> memref<1x1x8192xf32, #tpu.memory_space<hbm>>
    %dma_wait3A_106 = tpu.memref_squeeze %dma_wait3A_105 : memref<1x1x8192xf32, #tpu.memory_space<hbm>> -> memref<8192xf32, #tpu.memory_space<hbm>>
    tpu.wait_dma2 semaphore(%arg12 : memref<!tpu.dma_semaphore, #tpu.memory_space<semaphore_mem>>) src(%arg4 : memref<8192xf32, #tpu.memory_space<vmem>>) dst(%dma_wait3A_106 : memref<8192xf32, #tpu.memory_space<hbm>>)
    %dma_wait3A_107 = arith.constant 0 : i32
    %dma_wait3A_108 = arith.constant 0 : i32
    %dma_wait3A_109 = arith.constant 0 : i32
    %dma_wait3A_110 = tpu.memref_slice %arg3[%dma_wait3A_107, %dma_wait3A_108, %dma_wait3A_109] : memref<21x32x16384xf32, #tpu.memory_space<hbm>> -> memref<1x1x8192xf32, #tpu.memory_space<hbm>>
    %dma_wait3A_111 = tpu.memref_squeeze %dma_wait3A_110 : memref<1x1x8192xf32, #tpu.memory_space<hbm>> -> memref<8192xf32, #tpu.memory_space<hbm>>
    %dma_wait3A_112 = arith.constant 0 : i32
    %dma_wait3A_113 = tpu.memref_slice %arg3[%dma_wait3A_107, %dma_wait3A_108, %dma_wait3A_112] : memref<21x32x16384xf32, #tpu.memory_space<hbm>> -> memref<1x1x8192xf32, #tpu.memory_space<hbm>>
    %dma_wait3A_114 = tpu.memref_squeeze %dma_wait3A_113 : memref<1x1x8192xf32, #tpu.memory_space<hbm>> -> memref<8192xf32, #tpu.memory_space<hbm>>
    tpu.wait_dma2 semaphore(%arg12 : memref<!tpu.dma_semaphore, #tpu.memory_space<semaphore_mem>>) src(%arg6 : memref<8192xf32, #tpu.memory_space<vmem>>) dst(%dma_wait3A_114 : memref<8192xf32, #tpu.memory_space<hbm>>)
    %dma_wait3A_115 = arith.constant 0 : i32
    %dma_wait3A_116 = arith.constant 0 : i32
    %dma_wait3A_117 = arith.constant 0 : i32
    %dma_wait3A_118 = tpu.memref_slice %arg3[%dma_wait3A_115, %dma_wait3A_116, %dma_wait3A_117] : memref<21x32x16384xf32, #tpu.memory_space<hbm>> -> memref<1x1x8192xf32, #tpu.memory_space<hbm>>
    %dma_wait3A_119 = tpu.memref_squeeze %dma_wait3A_118 : memref<1x1x8192xf32, #tpu.memory_space<hbm>> -> memref<8192xf32, #tpu.memory_space<hbm>>
    %dma_wait3A_120 = arith.constant 0 : i32
    %dma_wait3A_121 = tpu.memref_slice %arg3[%dma_wait3A_115, %dma_wait3A_116, %dma_wait3A_120] : memref<21x32x16384xf32, #tpu.memory_space<hbm>> -> memref<1x1x8192xf32, #tpu.memory_space<hbm>>
    %dma_wait3A_122 = tpu.memref_squeeze %dma_wait3A_121 : memref<1x1x8192xf32, #tpu.memory_space<hbm>> -> memref<8192xf32, #tpu.memory_space<hbm>>
    tpu.wait_dma2 semaphore(%arg13 : memref<!tpu.dma_semaphore, #tpu.memory_space<semaphore_mem>>) src(%arg5 : memref<8192xf32, #tpu.memory_space<vmem>>) dst(%dma_wait3A_122 : memref<8192xf32, #tpu.memory_space<hbm>>)
    %dma_wait3A_123 = arith.constant 0 : i32
    %dma_wait3A_124 = arith.constant 0 : i32
    %dma_wait3A_125 = arith.constant 0 : i32
    %dma_wait3A_126 = tpu.memref_slice %arg3[%dma_wait3A_123, %dma_wait3A_124, %dma_wait3A_125] : memref<21x32x16384xf32, #tpu.memory_space<hbm>> -> memref<1x1x8192xf32, #tpu.memory_space<hbm>>
    %dma_wait3A_127 = tpu.memref_squeeze %dma_wait3A_126 : memref<1x1x8192xf32, #tpu.memory_space<hbm>> -> memref<8192xf32, #tpu.memory_space<hbm>>
    %dma_wait3A_128 = arith.constant 0 : i32
    %dma_wait3A_129 = tpu.memref_slice %arg3[%dma_wait3A_123, %dma_wait3A_124, %dma_wait3A_128] : memref<21x32x16384xf32, #tpu.memory_space<hbm>> -> memref<1x1x8192xf32, #tpu.memory_space<hbm>>
    %dma_wait3A_130 = tpu.memref_squeeze %dma_wait3A_129 : memref<1x1x8192xf32, #tpu.memory_space<hbm>> -> memref<8192xf32, #tpu.memory_space<hbm>>
    tpu.wait_dma2 semaphore(%arg13 : memref<!tpu.dma_semaphore, #tpu.memory_space<semaphore_mem>>) src(%arg7 : memref<8192xf32, #tpu.memory_space<vmem>>) dst(%dma_wait3A_130 : memref<8192xf32, #tpu.memory_space<hbm>>)
    return
  }
}

module attributes {stable_mosaic.version = 14 : i64} {
  func.func @_codes_body(%arg0: i32, %arg1: i32, %arg2: memref<1x21x32x512xf32, #tpu.memory_space<vmem>>, %arg3: memref<1x32x512xi32, #tpu.memory_space<vmem>>, %arg4: memref<21x1x32x512xi32, #tpu.memory_space<vmem>>) attributes {dimension_semantics = [#tpu.dimension_semantics<arbitrary>, #tpu.dimension_semantics<arbitrary>], iteration_bounds = array<i64: 4, 16>, scalar_prefetch = 0 : i64, scratch_operands = 0 : i64, tpu.core_type = #tpu.core_type<tc>, window_params = [{transform_indices = @transform_0, window_bounds = array<i64: 1, 21, 32, 512>}, {transform_indices = @transform_1, window_bounds = array<i64: 1, 32, 512>}, {transform_indices = @transform_2, window_bounds = array<i64: 21, 1, 32, 512>}]} {
    %get3A = arith.constant 0 : index
    %get3A_0 = arith.constant 0 : index
    %get3A_1 = arith.constant 0 : index
    %get3A_2 = arith.constant 0 : index
    %get3A_3 = vector.load %arg2[%get3A, %get3A_0, %get3A_1, %get3A_2] : memref<1x21x32x512xf32, #tpu.memory_space<vmem>>, vector<1x21x32x512xf32>
    %get3A_4 = arith.constant 0 : index
    %get3A_5 = arith.constant 0 : index
    %get3A_6 = arith.constant 0 : index
    %get3A_7 = vector.load %arg3[%get3A_4, %get3A_5, %get3A_6] : memref<1x32x512xi32, #tpu.memory_space<vmem>>, vector<1x32x512xi32>
    %reduce_max3A = arith.constant dense<0xFF800000> : vector<1x32x512xf32>
    %reduce_max3A_8 = vector.multi_reduction <maximumf>, %get3A_3, %reduce_max3A [1] : vector<1x21x32x512xf32> to vector<1x32x512xf32>
    %broadcast_in_dim3A = vector.shape_cast %reduce_max3A_8 : vector<1x32x512xf32> to vector<1x1x32x512xf32>
    %sub3A = vector.broadcast %broadcast_in_dim3A : vector<1x1x32x512xf32> to vector<1x21x32x512xf32>
    %sub3A_9 = arith.subf %get3A_3, %sub3A : vector<1x21x32x512xf32>
    %exp3A = math.exp %sub3A_9 : vector<1x21x32x512xf32>
    %reduce_sum3A = arith.constant dense<0.000000e+00> : vector<1x32x512xf32>
    %reduce_sum3A_10 = vector.multi_reduction <add>, %exp3A, %reduce_sum3A [1] : vector<1x21x32x512xf32> to vector<1x32x512xf32>
    %broadcast_in_dim3A_11 = vector.shape_cast %reduce_sum3A_10 : vector<1x32x512xf32> to vector<1x1x32x512xf32>
    %div3A = vector.broadcast %broadcast_in_dim3A_11 : vector<1x1x32x512xf32> to vector<1x21x32x512xf32>
    %div3A_12 = arith.divf %exp3A, %div3A : vector<1x21x32x512xf32>
    %iota3A = tpu.iota {dimensions = array<i32: 1>} : vector<1x21x1x1xi32>
    %broadcast_in_dim3A_13 = vector.shape_cast %get3A_7 : vector<1x32x512xi32> to vector<1x1x32x512xi32>
    %eq3A = vector.broadcast %broadcast_in_dim3A_13 : vector<1x1x32x512xi32> to vector<1x21x32x512xi32>
    %eq3A_14 = vector.broadcast %iota3A : vector<1x21x1x1xi32> to vector<1x21x32x512xi32>
    %eq3A_15 = arith.cmpi eq, %eq3A, %eq3A_14 : vector<1x21x32x512xi32>
    %sub3A_16 = arith.constant 1.000000e+00 : f32
    %sub3A_17 = vector.broadcast %sub3A_16 : f32 to vector<1x21x32x512xf32>
    %sub3A_18 = arith.subf %sub3A_17, %div3A_12 : vector<1x21x32x512xf32>
    %select_n3A = arith.select %eq3A_15, %sub3A_18, %div3A_12 : vector<1x21x32x512xi1>, vector<1x21x32x512xf32>
    %bitcast_convert_type3A = tpu.bitcast %select_n3A : vector<1x21x32x512xf32> -> vector<1x21x32x512xi32>
    %convert_element_type3A = arith.extui %eq3A_15 : vector<1x21x32x512xi1> to vector<1x21x32x512xi32>
    %shift_left3A = arith.constant 30 : i32
    %shift_left3A_19 = vector.broadcast %shift_left3A : i32 to vector<1x21x32x512xi32>
    %shift_left3A_20 = arith.shli %convert_element_type3A, %shift_left3A_19 : vector<1x21x32x512xi32>
    %or3A = arith.ori %bitcast_convert_type3A, %shift_left3A_20 : vector<1x21x32x512xi32>
    %reshape3A = vector.shape_cast %or3A : vector<1x21x32x512xi32> to vector<21x1x32x512xi32>
    %swap3A = arith.constant 0 : index
    %swap3A_21 = arith.constant 0 : index
    %swap3A_22 = arith.constant 0 : index
    %swap3A_23 = arith.constant 0 : index
    %swap3A_24 = vector.load %arg4[%swap3A, %swap3A_21, %swap3A_22, %swap3A_23] : memref<21x1x32x512xi32, #tpu.memory_space<vmem>>, vector<21x1x32x512xi32>
    tpu.vector_store %arg4[%swap3A, %swap3A_21, %swap3A_22, %swap3A_23], %reshape3A {strides = array<i32>} : memref<21x1x32x512xi32, #tpu.memory_space<vmem>>, vector<21x1x32x512xi32>,
    return
  }
  func.func @transform_0(%arg0: i32, %arg1: i32) -> (i32, i32, i32, i32) {
    %c0_i32 = arith.constant 0 : i32
    %c0_i32_0 = arith.constant 0 : i32
    %c0_i32_1 = arith.constant 0 : i32
    return %arg0, %c0_i32, %arg1, %c0_i32_0 : i32, i32, i32, i32
  }
  func.func @transform_1(%arg0: i32, %arg1: i32) -> (i32, i32, i32) {
    %c0_i32 = arith.constant 0 : i32
    %c0_i32_0 = arith.constant 0 : i32
    return %arg0, %arg1, %c0_i32 : i32, i32, i32
  }
  func.func @transform_2(%arg0: i32, %arg1: i32) -> (i32, i32, i32, i32) {
    %c0_i32 = arith.constant 0 : i32
    %c0_i32_0 = arith.constant 0 : i32
    %c0_i32_1 = arith.constant 0 : i32
    return %c0_i32, %arg0, %arg1, %c0_i32_0 : i32, i32, i32, i32
  }
}

module attributes {stable_mosaic.version = 14 : i64} {
  func.func @_reduce_body(%arg0: i32, %arg1: memref<1x32x16384xf32, #tpu.memory_space<vmem>>, %arg2: memref<1x1xf32, #tpu.memory_space<vmem>>) attributes {dimension_semantics = [#tpu.dimension_semantics<arbitrary>], iteration_bounds = array<i64: 21>, scalar_prefetch = 0 : i64, scratch_operands = 0 : i64, tpu.core_type = #tpu.core_type<tc>, window_params = [{transform_indices = @transform_0, window_bounds = array<i64: 1, 32, 16384>}, {pipeline_mode = #tpu.pipeline_mode<synchronous>, transform_indices = @transform_1, window_bounds = array<i64: 1, 1>}]} {
    %get3A = arith.constant 0 : index
    %get3A_0 = arith.constant 0 : index
    %get3A_1 = arith.constant 0 : index
    %get3A_2 = vector.load %arg1[%get3A, %get3A_0, %get3A_1] : memref<1x32x16384xf32, #tpu.memory_space<vmem>>, vector<1x32x16384xf32>
    %reduce_sum3A = arith.constant dense<0.000000e+00> : vector<1x16384xf32>
    %reduce_sum3A_3 = vector.multi_reduction <add>, %get3A_2, %reduce_sum3A [1] : vector<1x32x16384xf32> to vector<1x16384xf32>
    %slice3A = vector.extract_strided_slice %reduce_sum3A_3 {offsets = [0, 0], sizes = [1, 4096], strides = [1, 1]} : vector<1x16384xf32> to vector<1x4096xf32>
    %slice3A_4 = vector.extract_strided_slice %reduce_sum3A_3 {offsets = [0, 4096], sizes = [1, 4096], strides = [1, 1]} : vector<1x16384xf32> to vector<1x4096xf32>
    %add3A = arith.addf %slice3A, %slice3A_4 : vector<1x4096xf32>
    %reshape3A = vector.shape_cast %add3A : vector<1x4096xf32> to vector<32x128xf32>
    %slice3A_5 = vector.extract_strided_slice %reduce_sum3A_3 {offsets = [0, 4096], sizes = [1, 4096], strides = [1, 1]} : vector<1x16384xf32> to vector<1x4096xf32>
    %reshape3A_6 = vector.shape_cast %slice3A_5 : vector<1x4096xf32> to vector<32x128xf32>
    %slice3A_7 = vector.extract_strided_slice %reduce_sum3A_3 {offsets = [0, 8192], sizes = [1, 4096], strides = [1, 1]} : vector<1x16384xf32> to vector<1x4096xf32>
    %slice3A_8 = vector.extract_strided_slice %reduce_sum3A_3 {offsets = [0, 12288], sizes = [1, 4096], strides = [1, 1]} : vector<1x16384xf32> to vector<1x4096xf32>
    %add3A_9 = arith.addf %slice3A_7, %slice3A_8 : vector<1x4096xf32>
    %reshape3A_10 = vector.shape_cast %add3A_9 : vector<1x4096xf32> to vector<32x128xf32>
    %iota3A = tpu.iota {dimensions = array<i32: 0>} : vector<32x128xi32>
    %mul3A = arith.constant 128 : i32
    %mul3A_11 = vector.broadcast %mul3A : i32 to vector<32x128xi32>
    %mul3A_12 = arith.muli %iota3A, %mul3A_11 : vector<32x128xi32>
    %iota3A_13 = tpu.iota {dimensions = array<i32: 1>} : vector<32x128xi32>
    %add3A_14 = arith.addi %mul3A_12, %iota3A_13 : vector<32x128xi32>
    %shift_left3A = arith.constant 18 : i32
    %shift_left3A_15 = vector.broadcast %shift_left3A : i32 to vector<32x128xi32>
    %shift_left3A_16 = arith.shli %add3A_14, %shift_left3A_15 : vector<32x128xi32>
    %bitcast_convert_type3A = tpu.bitcast %shift_left3A_16 : vector<32x128xi32> -> vector<32x128xf32>
    %shift_right_logical3A = arith.constant 5 : i32
    %shift_right_logical3A_17 = vector.broadcast %shift_right_logical3A : i32 to vector<32x128xi32>
    %shift_right_logical3A_18 = arith.shrui %add3A_14, %shift_right_logical3A_17 : vector<32x128xi32>
    %sub3A = arith.constant 23 : i32
    %sub3A_19 = vector.broadcast %sub3A : i32 to vector<32x128xi32>
    %sub3A_20 = arith.subi %shift_right_logical3A_18, %sub3A_19 : vector<32x128xi32>
    %max3A = arith.constant 0 : i32
    %max3A_21 = vector.broadcast %max3A : i32 to vector<32x128xi32>
    %max3A_22 = arith.maxsi %sub3A_20, %max3A_21 : vector<32x128xi32>
    %shift_left3A_23 = arith.constant 23 : i32
    %shift_left3A_24 = vector.broadcast %shift_left3A_23 : i32 to vector<32x128xi32>
    %shift_left3A_25 = arith.shli %max3A_22, %shift_left3A_24 : vector<32x128xi32>
    %bitcast_convert_type3A_26 = tpu.bitcast %shift_left3A_25 : vector<32x128xi32> -> vector<32x128xf32>
    %mul3A_27 = arith.mulf %bitcast_convert_type3A, %reshape3A : vector<32x128xf32>
    %mul3A_28 = arith.mulf %bitcast_convert_type3A_26, %reshape3A_10 : vector<32x128xf32>
    %add3A_29 = arith.addf %mul3A_27, %mul3A_28 : vector<32x128xf32>
    %iota3A_30 = tpu.iota {dimensions = array<i32: 0>} : vector<128x128xi32>
    %iota3A_31 = tpu.iota {dimensions = array<i32: 1>} : vector<128x128xi32>
    %lt3A = arith.cmpi slt, %iota3A_30, %iota3A_31 : vector<128x128xi32>
    %convert_element_type3A = arith.extui %lt3A : vector<128x128xi1> to vector<128x128xi32>
    %convert_element_type3A_32 = arith.sitofp %convert_element_type3A : vector<128x128xi32> to vector<128x128xf32>
    %iota3A_33 = tpu.iota {dimensions = array<i32: 0>} : vector<32x32xi32>
    %iota3A_34 = tpu.iota {dimensions = array<i32: 1>} : vector<32x32xi32>
    %lt3A_35 = arith.cmpi slt, %iota3A_34, %iota3A_33 : vector<32x32xi32>
    %convert_element_type3A_36 = arith.extui %lt3A_35 : vector<32x32xi1> to vector<32x32xi32>
    %convert_element_type3A_37 = arith.sitofp %convert_element_type3A_36 : vector<32x32xi32> to vector<32x32xf32>
    %dot_general3A = arith.constant dense<0.000000e+00> : vector<32x128xf32>
    %dot_general3A_38 = tpu.matmul %reshape3A, %convert_element_type3A_32, %dot_general3A {dimension_numbers = #tpu.dot_dimension_numbers<[1], [0], [0], [1], [0, 0, 1, 1], [], []>, precision = #tpu.contract_precision<fp32>, transpose_lhs_hint = false} : vector<32x128xf32>, vector<128x128xf32>, vector<32x128xf32> -> vector<32x128xf32>
    %reduce_sum3A_39 = arith.constant dense<0.000000e+00> : vector<32xf32>
    %reduce_sum3A_40 = vector.multi_reduction <add>, %reshape3A, %reduce_sum3A_39 [1] : vector<32x128xf32> to vector<32xf32>
    %broadcast_in_dim3A = vector.shape_cast %reduce_sum3A_40 : vector<32xf32> to vector<32x1xf32>
    %dot_general3A_41 = arith.constant dense<0.000000e+00> : vector<32x1xf32>
    %dot_general3A_42 = tpu.matmul %convert_element_type3A_37, %broadcast_in_dim3A, %dot_general3A_41 {dimension_numbers = #tpu.dot_dimension_numbers<[1], [0], [0], [1], [0, 0, 1, 1], [], []>, precision = #tpu.contract_precision<fp32>, transpose_lhs_hint = false} : vector<32x32xf32>, vector<32x1xf32>, vector<32x1xf32> -> vector<32x1xf32>
    %add3A_43 = vector.broadcast %dot_general3A_42 : vector<32x1xf32> to vector<32x128xf32>
    %add3A_44 = arith.addf %dot_general3A_38, %add3A_43 : vector<32x128xf32>
    %dot_general3A_45 = arith.constant dense<0.000000e+00> : vector<32x128xf32>
    %dot_general3A_46 = tpu.matmul %reshape3A_6, %convert_element_type3A_32, %dot_general3A_45 {dimension_numbers = #tpu.dot_dimension_numbers<[1], [0], [0], [1], [0, 0, 1, 1], [], []>, precision = #tpu.contract_precision<fp32>, transpose_lhs_hint = false} : vector<32x128xf32>, vector<128x128xf32>, vector<32x128xf32> -> vector<32x128xf32>
    %reduce_sum3A_47 = arith.constant dense<0.000000e+00> : vector<32xf32>
    %reduce_sum3A_48 = vector.multi_reduction <add>, %reshape3A_6, %reduce_sum3A_47 [1] : vector<32x128xf32> to vector<32xf32>
    %broadcast_in_dim3A_49 = vector.shape_cast %reduce_sum3A_48 : vector<32xf32> to vector<32x1xf32>
    %dot_general3A_50 = arith.constant dense<0.000000e+00> : vector<32x1xf32>
    %dot_general3A_51 = tpu.matmul %convert_element_type3A_37, %broadcast_in_dim3A_49, %dot_general3A_50 {dimension_numbers = #tpu.dot_dimension_numbers<[1], [0], [0], [1], [0, 0, 1, 1], [], []>, precision = #tpu.contract_precision<fp32>, transpose_lhs_hint = false} : vector<32x32xf32>, vector<32x1xf32>, vector<32x1xf32> -> vector<32x1xf32>
    %add3A_52 = vector.broadcast %dot_general3A_51 : vector<32x1xf32> to vector<32x128xf32>
    %add3A_53 = arith.addf %dot_general3A_46, %add3A_52 : vector<32x128xf32>
    %reduce_sum3A_54 = vector.shape_cast %reshape3A_6 : vector<32x128xf32> to vector<1x32x128xf32>
    %reduce_sum3A_55 = arith.constant dense<0.000000e+00> : vector<1xf32>
    %reduce_sum3A_56 = vector.multi_reduction <add>, %reduce_sum3A_54, %reduce_sum3A_55 [1, 2] : vector<1x32x128xf32> to vector<1xf32>
    %reduce_sum3A_57 = vector.shape_cast %reduce_sum3A_56 : vector<1xf32> to vector<1x1x1xf32>
    %reduce_sum3A_58 = vector.extract %reduce_sum3A_57[0, 0, 0] : f32 from vector<1x1x1xf32>
    %broadcast_in_dim3A_59 = vector.broadcast %reduce_sum3A_58 : f32 to vector<1x1xf32>
    %sub3A_60 = arith.constant 0x49800000 : f32
    %sub3A_61 = vector.broadcast %sub3A_60 : f32 to vector<32x128xf32>
    %sub3A_62 = arith.subf %sub3A_61, %add3A_44 : vector<32x128xf32>
    %sub3A_63 = vector.broadcast %broadcast_in_dim3A_59 : vector<1x1xf32> to vector<32x128xf32>
    %sub3A_64 = arith.subf %sub3A_63, %add3A_53 : vector<32x128xf32>
    %sub3A_65 = arith.subf %sub3A_62, %reshape3A : vector<32x128xf32>
    %sub3A_66 = arith.subf %sub3A_64, %reshape3A_6 : vector<32x128xf32>
    %add3A_67 = vector.broadcast %broadcast_in_dim3A_59 : vector<1x1xf32> to vector<32x128xf32>
    %add3A_68 = arith.addf %add3A_67, %sub3A_62 : vector<32x128xf32>
    %sub3A_69 = arith.subf %add3A_68, %sub3A_64 : vector<32x128xf32>
    %add3A_70 = vector.broadcast %broadcast_in_dim3A_59 : vector<1x1xf32> to vector<32x128xf32>
    %add3A_71 = arith.addf %add3A_70, %sub3A_65 : vector<32x128xf32>
    %sub3A_72 = arith.subf %add3A_71, %sub3A_66 : vector<32x128xf32>
    %mul3A_73 = arith.mulf %reshape3A_6, %sub3A_69 : vector<32x128xf32>
    %sub3A_74 = vector.broadcast %broadcast_in_dim3A_59 : vector<1x1xf32> to vector<32x128xf32>
    %sub3A_75 = arith.subf %sub3A_74, %sub3A_64 : vector<32x128xf32>
    %sub3A_76 = arith.subf %reshape3A, %reshape3A_6 : vector<32x128xf32>
    %mul3A_77 = arith.mulf %sub3A_75, %sub3A_76 : vector<32x128xf32>
    %add3A_78 = arith.addf %mul3A_73, %mul3A_77 : vector<32x128xf32>
    %mul3A_79 = arith.mulf %sub3A_72, %sub3A_69 : vector<32x128xf32>
    %max3A_80 = arith.constant 1.000000e+00 : f32
    %max3A_81 = vector.broadcast %max3A_80 : f32 to vector<32x128xf32>
    %max3A_82 = arith.maximumf %mul3A_79, %max3A_81 : vector<32x128xf32>
    %div3A = arith.divf %add3A_78, %max3A_82 : vector<32x128xf32>
    %gt3A = arith.constant 0.000000e+00 : f32
    %gt3A_83 = vector.broadcast %gt3A : f32 to vector<32x128xf32>
    %gt3A_84 = arith.cmpf ogt, %reshape3A, %gt3A_83 : vector<32x128xf32>
    %max3A_85 = arith.constant 1.000000e+00 : f32
    %max3A_86 = vector.broadcast %max3A_85 : f32 to vector<32x128xf32>
    %max3A_87 = arith.maximumf %reshape3A, %max3A_86 : vector<32x128xf32>
    %div3A_88 = arith.divf %add3A_29, %max3A_87 : vector<32x128xf32>
    %mul3A_89 = arith.mulf %div3A_88, %div3A : vector<32x128xf32>
    %jit3A = arith.constant 0.000000e+00 : f32
    %broadcast_in_dim3A_90 = vector.broadcast %jit3A : f32 to vector<32x128xf32>
    %select_n3A = arith.select %gt3A_84, %mul3A_89, %broadcast_in_dim3A_90 : vector<32x128xi1>, vector<32x128xf32>
    %reduce_sum3A_91 = vector.shape_cast %select_n3A : vector<32x128xf32> to vector<1x32x128xf32>
    %reduce_sum3A_92 = arith.constant dense<0.000000e+00> : vector<1xf32>
    %reduce_sum3A_93 = vector.multi_reduction <add>, %reduce_sum3A_91, %reduce_sum3A_92 [1, 2] : vector<1x32x128xf32> to vector<1xf32>
    %reduce_sum3A_94 = vector.shape_cast %reduce_sum3A_93 : vector<1xf32> to vector<1x1x1xf32>
    %reduce_sum3A_95 = vector.extract %reduce_sum3A_94[0, 0, 0] : f32 from vector<1x1x1xf32>
    %broadcast_in_dim3A_96 = vector.broadcast %reduce_sum3A_95 : f32 to vector<1x1xf32>
    %eq3A = arith.constant 0 : i32
    %eq3A_97 = arith.cmpi eq, %arg0, %eq3A : i32
    %convert_element_type3A_98 = arith.extui %eq3A_97 : i1 to i32
    %cond3A = arith.constant 0 : i32
    %cond3A_99 = arith.cmpi ne, %convert_element_type3A_98, %cond3A : i32
    scf.if %cond3A_99 {
      %broadcast_in_dim3A_109 = arith.constant 0.000000e+00 : f32
      %broadcast_in_dim3A_110 = vector.broadcast %broadcast_in_dim3A_109 : f32 to vector<1x1xf32>
      %swap3A_111 = arith.constant 0 : index
      %swap3A_112 = arith.constant 0 : index
      %swap3A_113 = vector.load %arg2[%swap3A_111, %swap3A_112] : memref<1x1xf32, #tpu.memory_space<vmem>>, vector<1x1xf32>
      tpu.vector_store %arg2[%swap3A_111, %swap3A_112], %broadcast_in_dim3A_110 {strides = array<i32>} : memref<1x1xf32, #tpu.memory_space<vmem>>, vector<1x1xf32>,
    } else {
    }
    %get3A_100 = arith.constant 0 : index
    %get3A_101 = arith.constant 0 : index
    %get3A_102 = vector.load %arg2[%get3A_100, %get3A_101] : memref<1x1xf32, #tpu.memory_space<vmem>>, vector<1x1xf32>
    %div3A_103 = arith.constant 2.100000e+01 : f32
    %div3A_104 = vector.broadcast %div3A_103 : f32 to vector<1x1xf32>
    %div3A_105 = arith.divf %broadcast_in_dim3A_96, %div3A_104 : vector<1x1xf32>
    %add3A_106 = arith.addf %get3A_102, %div3A_105 : vector<1x1xf32>
    %swap3A = arith.constant 0 : index
    %swap3A_107 = arith.constant 0 : index
    %swap3A_108 = vector.load %arg2[%swap3A, %swap3A_107] : memref<1x1xf32, #tpu.memory_space<vmem>>, vector<1x1xf32>
    tpu.vector_store %arg2[%swap3A, %swap3A_107], %add3A_106 {strides = array<i32>} : memref<1x1xf32, #tpu.memory_space<vmem>>, vector<1x1xf32>,
    return
  }
  func.func @transform_0(%arg0: i32) -> (i32, i32, i32) {
    %c0_i32 = arith.constant 0 : i32
    %c0_i32_0 = arith.constant 0 : i32
    %c0_i32_1 = arith.constant 0 : i32
    return %arg0, %c0_i32, %c0_i32_0 : i32, i32, i32
  }
  func.func @transform_1(%arg0: i32) -> (i32, i32) {
    %c0_i32 = arith.constant 0 : i32
    %c0_i32_0 = arith.constant 0 : i32
    %c0_i32_1 = arith.constant 0 : i32
    return %c0_i32, %c0_i32_0 : i32, i32
  }
}

</mosaic_0001>

<sc_bundles>
// kernel: kernel.5.cloned.1.call-start
scs
__scs_entry_jumppad:
0x0: {  	(pc) =	sbr.rel $0x88, $3  }
0x1: {  	(tag) =	ssettag $0x0;
	lr =	simm.s32 $0x1  }
0x2: {  	[smem:$0x3F9F] =	sst lr;
	_ =	strace $0xD0000000  }
0x3: {  	_ = 	snop  }
0x4: {  	_ = 	snop  }
0x5: {  	_ = 	snop  }
0x6: {  	_ = 	snop  }
0x7: {  	_ = 	snop  }
__scs_overlays_trampoline_lowered:
0x8: {  	[smem:$0x3FAE] =	sst s0  }
0x9: {  	[smem:$0x3FAF] =	sst s1  }
0xa: {  	[smem:$0x3FB0] =	sst s2  }
0xb: {  	[smem:$0x3FB1] =	sst s3  }
0xc: {  	[smem:$0x3FB2] =	sst s4  }
0xd: {  	[smem:$0x3FB3] =	sst s5  }
0xe: {  	[smem:$0x3FB4] =	sst s6  }
0xf: {  	[smem:$0x3FB5] =	sst s7  }
0x10: {  	[smem:$0x3FB6] =	sst s8  }
0x11: {  	[smem:$0x3FB7] =	sst s9;
	s0 =	simm.s32 @!p0 $0x0  }
0x12: {  	s1 =	sld [smem:$0x3F9D];
	s0 =	simm.s32 @p0 $0x1  }
0x13: {  	[smem:$0x3FB8] =	sst s0;
	s0 =	simm.s32 @!p1 $0x0  }
0x14: {  	s2 =	sld [smem:$0x3F9C];
	s0 =	simm.s32 @p1 $0x1  }
0x15: {  	[smem:$0x3FB9] =	sst s0;
	s0 =	simm.s32 @!p2 $0x0  }
0x16: {  	s3 =	sld [smem:$0x3FDB];
	s0 =	simm.s32 @p2 $0x1  }
0x17: {  	s4 =	simm.s32 $0x1BF5;
	[smem:$0x3FBB] =	sst s0  }
0x18: {  	s0 =	sld [smem:$0x3F9E];
	_ =	swait.ge [sflag:s4], $0x0  }
0x19: {  	s7 =	sld [smem:$0x3F9F]  }
0x1a: {  	s8 =	sadd.s32 $0xFFFFE003, lr  }
0x1b: {  	s9 =	sadd.s32 $0xFFFFFEF7, lr;
	s5 =	simm.s32 $0xFFFFFFFF;
	p2 =	slt.u32 s8, $0xFFFFF086  }
0x1c: {  	p1 =	slt.u32 s9, $0xF7A;
	s5 =	simm.s32 @!p2 $0x0  }
0x1d: {  	s5 =	simm.s32 @p1 $0x1;
	p0 =	seq.s32 s7, s2  }
0x1e: {  	s7 =	smul.u32 @!p0 $0xF7A, s2;
	p2 =	seq.s32 @!p0 s5, $0x0  }
0x1f: {  	s9 =	smul.u32 $0xF7A, s1;
	s8 =	simm.s32 @!p0 $0x1BF5;
	p2 =	por !p2, p0  }
0x20: {  	[sflag:s8] =	ssyncset.s32 @!p0 $0xFFFFF086;
	s6 =	sadd.s32 @!p0 s3, s7;
	s7 =	simm.s32 @!p0 $0x108  }
0x21: {  	s3 =	sadd.s32 s3, s9;
	s6 =	sadd.s32 @!p0 $0x88, s6;
	s7 =	simm.s32 @p2 $0x1082  }
0x22: {  	[simem:s7], [sflag:s8] =	dma.local @!p0 [hbm:s6], $0xF7A  }
0x23: {  	s9 =	sor.u32 $0xD0000000, s2;
	s6 =	simm.s32 $0x108;
	_ =	swait.ge @!p0 [sflag:s8], $0x0  }
0x24: {  	s3 =	sadd.s32 $0x88, s3;
	s6 =	simm.s32 @!p1 $0x1082;
	[sflag:s4] =	ssyncset.s32 $0xFFFFF086  }
0x25: {  	[simem:s6], [sflag:s4] =	dma.local [hbm:s3], $0xF7A  }
0x26: {  	[smem:$0x3F9F] =	sst s1;
	(tag) =	ssettag s2;
	_ =	strace s9  }
0x27: {  	s1 =	sld [smem:$0x3FAF]  }
0x28: {  	s2 =	sld [smem:$0x3FB0]  }
0x29: {  	s4 =	sld [smem:$0x3FB2]  }
0x2a: {  	p0 =	seq.s32 s5, $0x0;
	s5 =	sld [smem:$0x3FB3]  }
0x2b: {  	s6 =	sld [smem:$0x3FB4]  }
0x2c: {  	s7 =	sld [smem:$0x3FB5]  }
0x2d: {  	s3 =	simm.s32 $0x108;
	s8 =	sld [smem:$0x3FB6]  }
0x2e: {  	s3 =	simm.s32 @!p0 $0x1082;
	s9 =	sld [smem:$0x3FB7]  }
0x2f: {  	lr =	sadd.s32 s0, s3;
	s0 =	sld [smem:$0x3FAE]  }
0x30: {  	s3 =	sld [smem:$0x3FB1]  }
0x31: {  	[smem:$0x3FBA] =	sst s10  }
0x32: {  	s10 =	sld [smem:$0x3FB8];
	_ =	sdelay $0x3  }
0x33: {  	p0 =	seq.s32 s10, $0x1;
	s10 =	sld [smem:$0x3FBA];
	_ =	sdelay $0x3  }
0x34: {  	[smem:$0x3FBA] =	sst s10  }
0x35: {  	s10 =	sld [smem:$0x3FB9];
	_ =	sdelay $0x3  }
0x36: {  	p1 =	seq.s32 s10, $0x1;
	s10 =	sld [smem:$0x3FBA];
	_ =	sdelay $0x3  }
0x37: {  	[smem:$0x3FBA] =	sst s10  }
0x38: {  	s10 =	sld [smem:$0x3FBB]  }
0x39: {  	_ = 	snop;
	(pc) =	sbr.ind lr, $3  }
0x3a: {  	_ = 	snop  }
0x3b: {  	_ = 	snop  }
0x3c: {  	p2 =	seq.s32 s10, $0x1;
	s10 =	sld [smem:$0x3FBA]  }
0x3d: {  	_ =	shalt  }
0x3e: {  	_ =	shalt  }
0x3f: {  	_ =	shalt  }
0x40: {  	_ =	shalt  }
0x41: {  	_ =	shalt  }
0x42: {  	_ =	shalt  }
0x43: {  	_ =	shalt  }
0x44: {  	_ =	shalt  }
0x45: {  	_ =	shalt  }
0x46: {  	_ =	shalt  }
0x47: {  	_ =	shalt  }
0x48: {  	_ =	shalt  }
0x49: {  	_ =	shalt  }
0x4a: {  	_ =	shalt  }
0x4b: {  	_ =	shalt  }
0x4c: {  	_ =	shalt  }
0x4d: {  	_ =	shalt  }
0x4e: {  	_ =	shalt  }
0x4f: {  	_ =	shalt  }
0x50: {  	_ =	shalt  }
0x51: {  	_ =	shalt  }
0x52: {  	_ =	shalt  }
0x53: {  	_ =	shalt  }
0x54: {  	_ =	shalt  }
0x55: {  	_ =	shalt  }
0x56: {  	_ =	shalt  }
0x57: {  	_ =	shalt  }
0x58: {  	_ =	shalt  }
0x59: {  	_ =	shalt  }
0x5a: {  	_ =	shalt  }
0x5b: {  	_ =	shalt  }
0x5c: {  	_ =	shalt  }
0x5d: {  	_ =	shalt  }
0x5e: {  	_ =	shalt  }
0x5f: {  	_ =	shalt  }
0x60: {  	_ =	shalt  }
0x61: {  	_ =	shalt  }
0x62: {  	_ =	shalt  }
0x63: {  	_ =	shalt  }
0x64: {  	_ =	shalt  }
0x65: {  	_ =	shalt  }
0x66: {  	_ =	shalt  }
0x67: {  	_ =	shalt  }
0x68: {  	_ =	shalt  }
0x69: {  	_ =	shalt  }
0x6a: {  	_ =	shalt  }
0x6b: {  	_ =	shalt  }
0x6c: {  	_ =	shalt  }
0x6d: {  	_ =	shalt  }
0x6e: {  	_ =	shalt  }
0x6f: {  	_ =	shalt  }
0x70: {  	_ =	shalt  }
0x71: {  	_ =	shalt  }
0x72: {  	_ =	shalt  }
0x73: {  	_ =	shalt  }
0x74: {  	_ =	shalt  }
0x75: {  	_ =	shalt  }
0x76: {  	_ =	shalt  }
0x77: {  	_ =	shalt  }
0x78: {  	_ =	shalt  }
0x79: {  	_ =	shalt  }
0x7a: {  	_ =	shalt  }
0x7b: {  	_ =	shalt  }
0x7c: {  	_ =	shalt  }
0x7d: {  	_ =	shalt  }
0x7e: {  	_ =	shalt  }
0x7f: {  	_ =	shalt  }
0x80: {  	_ =	shalt  }
0x81: {  	_ =	shalt  }
0x82: {  	_ =	shalt  }
0x83: {  	_ =	shalt  }
0x84: {  	_ =	shalt  }
0x85: {  	_ =	shalt  }
0x86: {  	_ =	shalt  }
0x87: {  	_ =	shalt  }
.Lfunc_end0:
.L_simem_size_0:
called_computation_lowered:
.L_overlay_start_0:
0x88: {  	s2 =	sld [smem:$0x3FD9]  }
0x89: {  	s3 =	sld [smem:$0x3FFE];
	_ =	sdelay $0x1  }
0x8a: {  	s1 =	srdreg.scid  }
0x8b: {  	s0 =	sand.u32 $0x1, s1  }
0x8c: {  	s16 =	sshll.u32 s0, $0xA;
	s2 =	sadd.s32 s3, s2  }
0x8d: {  	s2 =	sadd.s32 s2, s16  }
0x8e: {  	[smem:$0x3FC6] =	sst s2  }
0x8f: {  	_ = 	snop  }
0x90: {  	(tm) =	ssettm $0x1  }
0x91: {  	s17 =	sld [smem:$0x3FFB];
	_ =	sdelay $0x3  }
0x92: {  	_ =	strace s17  }
0x93: {  	s2 =	sld [smem:$0x3FFC];
	_ =	sdelay $0x3  }
0x94: {  	_ =	strace s2  }
0x95: {  	s2 =	sld [smem:$0x3FFD];
	_ =	sdelay $0x3  }
0x96: {  	_ =	strace s2  }
0x97: {  	_ =	strace $0x8FFFFFFF  }
0x98: {  	s18 =	sld [smem:$0x3FDB];
	_ =	sdelay $0x1  }
0x99: {  	s19 =	simm.s32 $_scs_section_size  }
0x9a: {  	s4 =	simm.s32 $_size__tile_overlayer_lowered;
	s5 =	simm.s32 $_tile_overlayer_lowered  }
0x9b: {  	s22 =	simm.s32 $0x1BFF;
	s21 =	sshll.u32 s5, $0x1;
	s2 =	sadd.s32 s19, s18  }
0x9c: {  	s6 =	simm.s32 $0x0;
	s20 =	sshll.u32 s4, $0x1;
	s4 =	sadd.s32 s21, s2  }
0x9d: {  	[timem:s6], [sflag:s22] =	dma.local [hbm:s4], s20  }
0x9e: {  	_ =	swait.ge [sflag:s22], s20  }
0x9f: {  	s3 =	ssub.s32 $0x0, s20;
	[sflag:s22] =	ssyncset.done $0x0  }
0xa0: {  	[sflag:s22] =	ssyncadd.s32 s3;
	_ =	sdelay $0x1  }
0xa1: {  	s23 =	simm.s32 $0x1B8B  }
0xa2: {  	_ =	swait.ge [sflag:s23], $0x1  }
0xa3: {  	[sflag:s23] =	ssyncset.done $0x0  }
0xa4: {  	s25 =	simm.s32 $0x1B8E;
	s24 =	sld [smem:$0x3FFE];
	[sflag:s23] =	ssyncadd.s32 $0xFFFFFFFF  }
0xa5: {  	s26 =	simm.s32 $execute0_lowered;
	[smem:$0x3FD2] =	sst s25  }
0xa6: {  	s4 =	sshll.u32 s26, $0x1;
	_ =	strace $0x80000046;
	[dreg:$0x1] =	wrdreg $0xFFFFFFFF  }
0xa7: {  	s28 =	simm.s32 $_size_execute0_lowered;
	s2 =	sadd.s32 s2, s4;
	[dreg:$0x0] =	wrdreg $0x0  }
0xa8: {  	s4 =	sshll.u32 s28, $0x1;
	[dreg:$0x2] =	wrdreg s2  }
0xa9: {  	[dreg:$0x3] =	wrdreg s4  }
0xaa: {  	[dreg:$0x4] =	wrdreg $0xC0  }
0xab: {  	_ =	task [dreg:s6], $0x5FFFF  }
0xac: {  	[dreg:$0x1] =	wrdreg $0xFFFFFFFF  }
0xad: {  	[dreg:$0x0] =	wrdreg $0x60  }
0xae: {  	[dreg:$0x2] =	wrdreg s24  }
0xaf: {  	[dreg:$0x3] =	wrdreg $0x9  }
0xb0: {  	_ =	task.clear_ibuf [dreg:s6], $0x4FFFF;
	_ =	strace $0x90000046  }
0xb1: {  	s29 =	simm.s32 $0x9;
	_ =	strace $0x80000048  }
0xb2: {  	_ =	swait.ge [sflag:s29], $0x1  }
0xb3: {  	[sflag:s29] =	ssyncadd.s32 $0xFFFFFFFF  }
0xb4: {  	_ =	strace $0x90000048  }
0xb5: {  	_ =	sfence  }
0xb6: {  	s30 =	sld [smem:$0x0];
	_ =	sdelay $0x2  }
0xb7: {  	s31 =	sshll.u32 s1, $0xD;
	s1 =	sshrl.u32 s1, $0x2  }
0xb8: {  	s3 =	sand.u32 $0x4000, s31;
	s1 =	sadd.s32 s1, s30  }
0xb9: {  	s0 =	sor.u32 s3, s0;
	s1 =	sshll.u32 s1, $0x11  }
0xba: {  	s0 =	sor.u32 s1, s0  }
0xbb: {  	s0 =	sadd.s32 $0x8F2B, s0  }
0xbc: {  	[sflag:s0] =	ssyncadd.remote.s32 $0x1  }
0xbd: {  	_ =	sfence.sel $0xFFFF  }
0xbe: {  	[dreg:$0x0] =	wrdreg $0xFFFFFFFF;
	(pc) =	sbr.abs _section_cstart, $3  }
0xbf: {  	[dreg:$0x1] =	wrdreg $0xFFFFFFFF  }
0xc0: {  	_ =	task.clear_ibuf [dreg:s6], $0x2FFFF;
	_ =	strace $0x9FFFFFFF  }
0xc1: {  	(tm) =	ssettm $0x7FFFFFFF  }
tec
execute0_lowered:
.L_overlay_start_1:
0x0: {  	(tag) =	ssettag $0x1  }
0x1: {  	s9 =	rddreg [dreg:$0x0];
	s3 =	srdreg.scid  }
0x2: {  	s1 =	stileid.u32;
	s2 =	simm.s32 $0x0;
	s13 =	simm.s32 $0x8000  }
0x3: {  	s14 =	simm.s32 $0x1;
	s15 =	simm.s32 $0x10000;
	s16 =	simm.s32 $0x4000  }
0x4: {  	s17 =	simm.s32 $0x80;
	s18 =	simm.s32 $0x400;
	s19 =	simm.s32 $0x2  }
0x5: {  	s20 =	simm.s32 $0x2000;
	s21 =	simm.s32 $0x6000;
	s22 =	simm.s32 $0x3  }
0x6: {  	s23 =	simm.s32 $0x4;
	s24 =	simm.s32 $0x0;
	s5 =	sand.u32 $0x1, s3  }
0x7: {  	s28 =	sshll.u32 s1, $0x1;
	[smem:$0x7FF] =	sst s2;
	s3 =	sadd.s32 $0x600, s9  }
0x8: {  	s4 =	sadd.s32 $0x2A0600, s9;
	s8 =	sshll.u32 s1, $0x10;
	s10 =	sshll.u32 s1, $0xF  }
0x9: {  	s9 =	sadd.s32 $0x2A2600, s9;
	s6 =	sor.u32 s5, s28;
	_ =	strace $0x80000047  }
0xa: {  	s8 =	sand.u32 $0xC0000, s8;
	s7 =	sshll.u32 s6, $0xF;
	s6 =	sshll.u32 s6, $0x7  }
0xb: {  	s11 =	ssub.s32 $0x2, s5;
	s7 =	sand.u32 $0x38000, s7;
	s6 =	sor.u32 s10, s6  }
0xc: {  	s29 =	sshrl.u32 s11, $0x1;
	s5 =	sor.u32 s8, s7;
	s6 =	sand.u32 $0x60380, s6  }
0xd: {  	s12 =	ssub.s32 s11, s29;
	s8 =	sshrl.u32 s5, $0x3;
	s30 =	sshrl.u32 s6, $0x3  }
0xe: {  	s12 =	smax.u32 s12, $0x1;
	s7 =	sadd.s32 s3, s8;
	s31 =	sadd.s32 s30, s4  }
0xf: {  	v0 =	vimm.f32 $0.0e+00;
	v1 =	vimm.f32 $1.000000000e+00;
	s8 =	sor.u32 $0x200000, s5;
	s10 =	sadd.s32 $0x140000, s31;
	s11 =	sadd.s32 $0x142000, s31  }
.LBB2_1:
0x10: {  	[tilespmem:s13], [sflag:$0x1] =	stream.linear.gather [hbm4b:s7+s2], $0x8000, $0x38;
	[tilespmem:$0x18000] =	vst v63  }
0x11: {  	s25 =	simm.s32 $0x0  }
.LBB2_2:
0x12: {  	s26 =	sshllo.u32 s25, $0x1  }
0x13: {  	s28 =	sshll.u32 s26, $0x14  }
0x14: {  	_ =	swait.ge [sflag:s14], $0x8000;
	s28 =	sor.u32 s5, s28  }
0x15: {  	[sflag:s14] =	ssyncset.done $0x0;
	s28 =	sshrl.u32 s28, $0x3  }
0x16: {  	p0 =	seq.s32 s25, $0x0;
	[sflag:s14] =	ssyncadd.s32 $0xFFFF8000;
	s28 =	sadd.s32 s3, s28  }
0x17: {  	[tilespmem:s15], [sflag:$0x2] =	stream.linear.gather [hbm4b:s28+s2], $0x8000, $0x38;
	[tilespmem:$0x18000] =	vst v63  }
0x18: {  	s28 =	simm.s32 @!p0 $0x3  }
0x19: {  	_ =	swait.ge @!p0 [sflag:s28], $0x2000  }
0x1a: {  	[sflag:s28] =	ssyncset.done @!p0 $0x0  }
0x1b: {  	[sflag:s28] =	ssyncadd.s32 @!p0 $0xFFFFE000  }
0x1c: {  	_ =	swait.ge @!p0 [sflag:s28], $0x2000  }
0x1d: {  	[sflag:s28] =	ssyncset.done @!p0 $0x0  }
0x1e: {  	s29 =	simm.s32 $0x40;
	[sflag:s28] =	ssyncadd.s32 @!p0 $0xFFFFE000  }
0x1f: {  	s28 =	simm.s32 $0x4040;
	[tilespmem:s29+$0xFFFFFFC0] =	vst v0  }
0x20: {  	[tilespmem:s28+$0xFFFFFFC0] =	vst v0  }
0x21: {  	[tilespmem:s29+$0xFFFFFFD0] =	vst v0  }
0x22: {  	[tilespmem:s28+$0xFFFFFFD0] =	vst v0  }
0x23: {  	[tilespmem:s29+$0xFFFFFFE0] =	vst v0  }
0x24: {  	[tilespmem:s28+$0xFFFFFFE0] =	vst v0  }
0x25: {  	[tilespmem:s29+$0xFFFFFFF0] =	vst v0  }
0x26: {  	[tilespmem:s28+$0xFFFFFFF0] =	vst v0  }
0x27: {  	[tilespmem:s29+$0x0] =	vst v0  }
0x28: {  	[tilespmem:s28+$0x0] =	vst v0  }
0x29: {  	[tilespmem:s29+$0x10] =	vst v0  }
0x2a: {  	[tilespmem:s28+$0x10] =	vst v0  }
0x2b: {  	[tilespmem:s29+$0x20] =	vst v0  }
0x2c: {  	[tilespmem:s28+$0x20] =	vst v0  }
0x2d: {  	[tilespmem:s29+$0x30] =	vst v0  }
0x2e: {  	s30 =	simm.s32 $0xC0;
	s29 =	simm.s32 $0x0;
	[tilespmem:s28+$0x30] =	vst v0  }
.LBB2_3:
0x2f: {  	[tilespmem:s30+$0xFFFFFFC0] =	vst v0;
	s28 =	sadd.s32 $0x80, s28  }
0x30: {  	[tilespmem:s28+$0xFFFFFFC0] =	vst v0  }
0x31: {  	[tilespmem:s30+$0xFFFFFFD0] =	vst v0  }
0x32: {  	[tilespmem:s28+$0xFFFFFFD0] =	vst v0  }
0x33: {  	[tilespmem:s30+$0xFFFFFFE0] =	vst v0  }
0x34: {  	[tilespmem:s28+$0xFFFFFFE0] =	vst v0  }
0x35: {  	[tilespmem:s30+$0xFFFFFFF0] =	vst v0  }
0x36: {  	[tilespmem:s28+$0xFFFFFFF0] =	vst v0  }
0x37: {  	[tilespmem:s30+$0x0] =	vst v0  }
0x38: {  	s29 =	sadd.s32 $0x8, s29;
	[tilespmem:s28+$0x0] =	vst v0  }
0x39: {  	p1 =	slt.u32 s29, $0x1F8;
	[tilespmem:s30+$0x10] =	vst v0  }
.Ltmp0:
0x3a: {  	[tilespmem:s28+$0x10] =	vst v0;
	(pc) =	sbr.rel @p1 .LBB2_3-.Ltmp0, $4  }
0x3b: {  	[tilespmem:s30+$0x20] =	vst v0  }
0x3c: {  	[tilespmem:s28+$0x20] =	vst v0  }
0x3d: {  	[tilespmem:s30+$0x30] =	vst v0  }
0x3e: {  	s31 =	simm.s32 $0x0;
	s30 =	sadd.s32 $0x80, s30;
	[tilespmem:s28+$0x30] =	vst v0  }
0x3f: {  	s28 =	sand.u32 $0x3000, s31;
	s29 =	simm.s32 $0x0  }
0x40: {  	s30 =	simm.s32 $0x0;
	s29 =	sand.u32 $0x7000, s29;
	s28 =	sshrl.u32 s28, $0x2  }
0x41: {  	s30 =	sand.u32 $0x380, s30;
	s28 =	sor.u32 s28, s29  }
0x42: {  	s28 =	sor.u32 s30, s28  }
0x43: {  	v6 =	vld [tilespmem:s28+$0x8000]  }
0x44: {  	v7 =	vld [tilespmem:s28+$0x8010]  }
0x45: {  	v8 =	vld [tilespmem:s28+$0x8020]  }
0x46: {  	v9 =	vld [tilespmem:s28+$0x8030]  }
0x47: {  	v10 =	vld [tilespmem:s28+$0x8040]  }
0x48: {  	v11 =	vld [tilespmem:s28+$0x8050];
	v12 =	vshrl.u32 v6, $0x12  }
0x49: {  	v13 =	vld [tilespmem:s28+$0x8060];
	v14 =	vshrl.u32 v7, $0x12  }
0x4a: {  	v15 =	vld [tilespmem:s28+$0x8070];
	v16 =	vshrl.u32 v8, $0x12  }
0x4b: {  	v17 =	vshrl.u32 v9, $0x12  }
0x4c: {  	v5 =	vshrl.u32 v10, $0x12  }
0x4d: {  	v3 =	vshrl.u32 v11, $0x12;
	[tilespmem:v12+s2+$0x0] =	vst.idx.add.f32.msk $0xffff, v1  }
0x4e: {  	v2 =	vshrl.u32 v13, $0x12;
	[tilespmem:v14+s2+$0x0] =	vst.idx.add.f32.msk $0xffff, v1  }
0x4f: {  	v4 =	vshrl.u32 v15, $0x12;
	[tilespmem:v16+s2+$0x0] =	vst.idx.add.f32.msk $0xffff, v1  }
0x50: {  	[tilespmem:v17+s2+$0x0] =	vst.idx.add.f32.msk $0xffff, v1  }
0x51: {  	[tilespmem:v5+s2+$0x0] =	vst.idx.add.f32.msk $0xffff, v1  }
0x52: {  	v6 =	vand.u32 $0x3FFFF, v6;
	[tilespmem:v3+s2+$0x0] =	vst.idx.add.f32.msk $0xffff, v1  }
0x53: {  	v7 =	vand.u32 $0x3FFFF, v7;
	v6 =	vcvt.s32.f32 v6;
	[tilespmem:v2+s2+$0x0] =	vst.idx.add.f32.msk $0xffff, v1  }
0x54: {  	v8 =	vand.u32 $0x3FFFF, v8;
	v7 =	vcvt.s32.f32 v7;
	[tilespmem:v4+s2+$0x0] =	vst.idx.add.f32.msk $0xffff, v1  }
0x55: {  	v9 =	vand.u32 $0x3FFFF, v9;
	v8 =	vcvt.s32.f32 v8;
	[tilespmem:v12+s16+$0x0] =	vst.idx.add.f32.msk $0xffff, v6  }
0x56: {  	v63 =	vcvt.s32.f32 v9;
	v9 =	vand.u32 $0x3FFFF, v10;
	[tilespmem:v14+s16+$0x0] =	vst.idx.add.f32.msk $0xffff, v7  }
0x57: {  	v10 =	vand.u32 $0x3FFFF, v11;
	v9 =	vcvt.s32.f32 v9;
	v6 =	vand.u32 $0x3FFFF, v13;
	[tilespmem:v16+s16+$0x0] =	vst.idx.add.f32.msk $0xffff, v8  }
0x58: {  	s29 =	simm.s32 $0x1000;
	s28 =	simm.s32 $0x1;
	v6 =	vcvt.s32.f32 v6;
	v7 =	vand.u32 $0x3FFFF, v15;
	v8 =	vcvt.s32.f32 v10;
	[tilespmem:v17+s16+$0x0] =	vst.idx.add.f32.msk $0xffff, v63  }
.LBB2_5:
0x59: {  	s30 =	sand.u32 $0x3000, s29;
	s31 =	sshll.u32 s28, $0x7;
	s0 =	sshll.u32 s28, $0x5;
	[tilespmem:v5+s16+$0x0] =	vst.idx.add.f32.msk $0xffff, v9  }
0x5a: {  	v5 =	vcvt.s32.f32 v7;
	s31 =	sand.u32 $0x7000, s31;
	s0 =	sand.u32 $0x380, s0;
	s30 =	sshrl.u32 s30, $0x2;
	[tilespmem:v3+s16+$0x0] =	vst.idx.add.f32.msk $0xffff, v8  }
0x5b: {  	p1 =	sne.s32 s28, $0xFF;
	s28 =	sadd.s32 $0x1, s28;
	s30 =	sor.u32 s30, s31;
	[tilespmem:v2+s16+$0x0] =	vst.idx.add.f32.msk $0xffff, v6  }
0x5c: {  	s0 =	sor.u32 s0, s30;
	[tilespmem:v4+s16+$0x0] =	vst.idx.add.f32.msk $0xffff, v5  }
0x5d: {  	v2 =	vld [tilespmem:s0+$0x8000]  }
0x5e: {  	v3 =	vld [tilespmem:s0+$0x8010]  }
0x5f: {  	v4 =	vld [tilespmem:s0+$0x8020]  }
0x60: {  	v5 =	vld [tilespmem:s0+$0x8030]  }
0x61: {  	v6 =	vld [tilespmem:s0+$0x8040]  }
0x62: {  	v7 =	vld [tilespmem:s0+$0x8050];
	v8 =	vshrl.u32 v2, $0x12;
	v9 =	vand.u32 $0x3FFFF, v2  }
0x63: {  	v10 =	vld [tilespmem:s0+$0x8060];
	v11 =	vshrl.u32 v3, $0x12;
	v12 =	vand.u32 $0x3FFFF, v3  }
0x64: {  	v13 =	vld [tilespmem:s0+$0x8070];
	v14 =	vshrl.u32 v4, $0x12;
	v15 =	vand.u32 $0x3FFFF, v4  }
0x65: {  	v16 =	vshrl.u32 v5, $0x12;
	v17 =	vand.u32 $0x3FFFF, v5  }
0x66: {  	v5 =	vshrl.u32 v6, $0x12;
	v18 =	vand.u32 $0x3FFFF, v6  }
0x67: {  	v3 =	vshrl.u32 v7, $0x12;
	v19 =	vand.u32 $0x3FFFF, v7;
	[tilespmem:v8+s2+$0x0] =	vst.idx.add.f32.msk $0xffff, v1  }
0x68: {  	v2 =	vshrl.u32 v10, $0x12;
	v6 =	vand.u32 $0x3FFFF, v10;
	[tilespmem:v11+s2+$0x0] =	vst.idx.add.f32.msk $0xffff, v1  }
0x69: {  	v4 =	vshrl.u32 v13, $0x12;
	v6 =	vcvt.s32.f32 v6;
	v7 =	vand.u32 $0x3FFFF, v13;
	[tilespmem:v14+s2+$0x0] =	vst.idx.add.f32.msk $0xffff, v1  }
0x6a: {  	[tilespmem:v16+s2+$0x0] =	vst.idx.add.f32.msk $0xffff, v1  }
0x6b: {  	[tilespmem:v5+s2+$0x0] =	vst.idx.add.f32.msk $0xffff, v1  }
0x6c: {  	[tilespmem:v3+s2+$0x0] =	vst.idx.add.f32.msk $0xffff, v1  }
0x6d: {  	v9 =	vcvt.s32.f32 v9;
	[tilespmem:v2+s2+$0x0] =	vst.idx.add.f32.msk $0xffff, v1  }
.Ltmp1:
0x6e: {  	v10 =	vcvt.s32.f32 v12;
	[tilespmem:v4+s2+$0x0] =	vst.idx.add.f32.msk $0xffff, v1;
	(pc) =	sbr.rel @p1 .LBB2_5-.Ltmp1, $4  }
0x6f: {  	v12 =	vcvt.s32.f32 v15;
	[tilespmem:v8+s16+$0x0] =	vst.idx.add.f32.msk $0xffff, v9  }
0x70: {  	v13 =	vcvt.s32.f32 v17;
	[tilespmem:v11+s16+$0x0] =	vst.idx.add.f32.msk $0xffff, v10  }
0x71: {  	v9 =	vcvt.s32.f32 v18;
	[tilespmem:v14+s16+$0x0] =	vst.idx.add.f32.msk $0xffff, v12  }
0x72: {  	s29 =	sadd.s32 $0x1000, s29;
	v8 =	vcvt.s32.f32 v19;
	[tilespmem:v16+s16+$0x0] =	vst.idx.add.f32.msk $0xffff, v13  }
0x73: {  	_ =	sdelay $0x3  }
0x74: {  	[tilespmem:v5+s16+$0x0] =	vst.idx.add.f32.msk $0xffff, v9;
	s0 =	sshll.u32 s25, $0x14  }
0x75: {  	v63 =	vcvt.s32.f32 v7;
	[tilespmem:v3+s16+$0x0] =	vst.idx.add.f32.msk $0xffff, v8;
	s0 =	sor.u32 s6, s0  }
0x76: {  	[tilespmem:v2+s16+$0x0] =	vst.idx.add.f32.msk $0xffff, v6;
	s0 =	sshrl.u32 s0, $0x3  }
0x77: {  	[tilespmem:v4+s16+$0x0] =	vst.idx.add.f32.msk $0xffff, v63;
	s28 =	sadd.s32 s4, s0  }
0x78: {  	[hbm4b:s28+s17] =	stream.strided.scatter [tilespmem:s2], [sflag:$0x3], $0x2000, s18, s17, $0x38;
	[tilespmem:$0x18000] =	vst v63  }
0x79: {  	s31 =	sshll.u32 s25, $0x15;
	s0 =	sadd.s32 s0, s9  }
0x7a: {  	[hbm4b:s0+s17] =	stream.strided.scatter [tilespmem:s16], [sflag:$0x3], $0x2000, s18, s17, $0x38;
	[tilespmem:$0x18000] =	vst v63  }
0x7b: {  	s0 =	sadd.s32 s8, s31;
	_ =	swait.ge [sflag:s19], $0x8000  }
0x7c: {  	s0 =	sshrl.u32 s0, $0x3;
	[sflag:s19] =	ssyncset.done $0x0  }
0x7d: {  	s0 =	sadd.s32 s3, s0;
	[sflag:s19] =	ssyncadd.s32 $0xFFFF8000  }
0x7e: {  	[tilespmem:s13], [sflag:$0x1] =	stream.linear.gather [hbm4b:s0+s2], $0x8000, $0x38;
	[tilespmem:$0x18000] =	vst v63  }
0x7f: {  	s0 =	simm.s32 @!p0 $0x4  }
0x80: {  	_ =	swait.ge @!p0 [sflag:s0], $0x2000  }
0x81: {  	[sflag:s0] =	ssyncset.done @!p0 $0x0  }
0x82: {  	[sflag:s0] =	ssyncadd.s32 @!p0 $0xFFFFE000  }
0x83: {  	_ =	swait.ge @!p0 [sflag:s0], $0x2000  }
0x84: {  	[sflag:s0] =	ssyncset.done @!p0 $0x0  }
0x85: {  	s31 =	simm.s32 $0x2040;
	[sflag:s0] =	ssyncadd.s32 @!p0 $0xFFFFE000  }
0x86: {  	s28 =	simm.s32 $0x6040;
	[tilespmem:s31+$0xFFFFFFC0] =	vst v0  }
0x87: {  	[tilespmem:s28+$0xFFFFFFC0] =	vst v0  }
0x88: {  	[tilespmem:s31+$0xFFFFFFD0] =	vst v0  }
0x89: {  	[tilespmem:s28+$0xFFFFFFD0] =	vst v0  }
0x8a: {  	[tilespmem:s31+$0xFFFFFFE0] =	vst v0  }
0x8b: {  	[tilespmem:s28+$0xFFFFFFE0] =	vst v0  }
0x8c: {  	[tilespmem:s31+$0xFFFFFFF0] =	vst v0  }
0x8d: {  	[tilespmem:s28+$0xFFFFFFF0] =	vst v0  }
0x8e: {  	[tilespmem:s31+$0x0] =	vst v0  }
0x8f: {  	[tilespmem:s28+$0x0] =	vst v0  }
0x90: {  	[tilespmem:s31+$0x10] =	vst v0  }
0x91: {  	[tilespmem:s28+$0x10] =	vst v0  }
0x92: {  	[tilespmem:s31+$0x20] =	vst v0  }
0x93: {  	[tilespmem:s28+$0x20] =	vst v0  }
0x94: {  	[tilespmem:s31+$0x30] =	vst v0  }
0x95: {  	s29 =	simm.s32 $0x0;
	s30 =	simm.s32 $0x20C0;
	[tilespmem:s28+$0x30] =	vst v0  }
.LBB2_7:
0x96: {  	[tilespmem:s30+$0xFFFFFFC0] =	vst v0;
	s28 =	sadd.s32 $0x80, s28  }
0x97: {  	[tilespmem:s28+$0xFFFFFFC0] =	vst v0  }
0x98: {  	[tilespmem:s30+$0xFFFFFFD0] =	vst v0  }
0x99: {  	[tilespmem:s28+$0xFFFFFFD0] =	vst v0  }
0x9a: {  	[tilespmem:s30+$0xFFFFFFE0] =	vst v0  }
0x9b: {  	[tilespmem:s28+$0xFFFFFFE0] =	vst v0  }
0x9c: {  	[tilespmem:s30+$0xFFFFFFF0] =	vst v0  }
0x9d: {  	[tilespmem:s28+$0xFFFFFFF0] =	vst v0  }
0x9e: {  	[tilespmem:s30+$0x0] =	vst v0  }
0x9f: {  	s29 =	sadd.s32 $0x8, s29;
	[tilespmem:s28+$0x0] =	vst v0  }
0xa0: {  	p0 =	slt.u32 s29, $0x1F8;
	[tilespmem:s30+$0x10] =	vst v0  }
.Ltmp2:
0xa1: {  	[tilespmem:s28+$0x10] =	vst v0;
	(pc) =	sbr.rel @p0 .LBB2_7-.Ltmp2, $4  }
0xa2: {  	[tilespmem:s30+$0x20] =	vst v0  }
0xa3: {  	[tilespmem:s28+$0x20] =	vst v0  }
0xa4: {  	[tilespmem:s30+$0x30] =	vst v0  }
0xa5: {  	s31 =	simm.s32 $0x0;
	s30 =	sadd.s32 $0x80, s30;
	[tilespmem:s28+$0x30] =	vst v0  }
0xa6: {  	s0 =	sand.u32 $0x3000, s31;
	s28 =	simm.s32 $0x0  }
0xa7: {  	s29 =	simm.s32 $0x0;
	s28 =	sand.u32 $0x7000, s28;
	s0 =	sshrl.u32 s0, $0x2  }
0xa8: {  	s29 =	sand.u32 $0x380, s29;
	s0 =	sor.u32 s0, s28  }
0xa9: {  	s0 =	sor.u32 s29, s0  }
0xaa: {  	v6 =	vld [tilespmem:s0+$0x10000]  }
0xab: {  	v7 =	vld [tilespmem:s0+$0x10010]  }
0xac: {  	v8 =	vld [tilespmem:s0+$0x10020]  }
0xad: {  	v9 =	vld [tilespmem:s0+$0x10030]  }
0xae: {  	v10 =	vld [tilespmem:s0+$0x10040]  }
0xaf: {  	v11 =	vld [tilespmem:s0+$0x10050];
	v12 =	vshrl.u32 v6, $0x12  }
0xb0: {  	v13 =	vld [tilespmem:s0+$0x10060];
	v14 =	vshrl.u32 v7, $0x12  }
0xb1: {  	v15 =	vld [tilespmem:s0+$0x10070];
	v16 =	vshrl.u32 v8, $0x12  }
0xb2: {  	v17 =	vshrl.u32 v9, $0x12  }
0xb3: {  	v5 =	vshrl.u32 v10, $0x12  }
0xb4: {  	v3 =	vshrl.u32 v11, $0x12;
	[tilespmem:v12+s20+$0x0] =	vst.idx.add.f32.msk $0xffff, v1  }
0xb5: {  	v2 =	vshrl.u32 v13, $0x12;
	[tilespmem:v14+s20+$0x0] =	vst.idx.add.f32.msk $0xffff, v1  }
0xb6: {  	v4 =	vshrl.u32 v15, $0x12;
	[tilespmem:v16+s20+$0x0] =	vst.idx.add.f32.msk $0xffff, v1  }
0xb7: {  	[tilespmem:v17+s20+$0x0] =	vst.idx.add.f32.msk $0xffff, v1  }
0xb8: {  	[tilespmem:v5+s20+$0x0] =	vst.idx.add.f32.msk $0xffff, v1  }
0xb9: {  	v6 =	vand.u32 $0x3FFFF, v6;
	[tilespmem:v3+s20+$0x0] =	vst.idx.add.f32.msk $0xffff, v1  }
0xba: {  	v7 =	vand.u32 $0x3FFFF, v7;
	v6 =	vcvt.s32.f32 v6;
	[tilespmem:v2+s20+$0x0] =	vst.idx.add.f32.msk $0xffff, v1  }
0xbb: {  	v8 =	vand.u32 $0x3FFFF, v8;
	v7 =	vcvt.s32.f32 v7;
	[tilespmem:v4+s20+$0x0] =	vst.idx.add.f32.msk $0xffff, v1  }
0xbc: {  	v9 =	vand.u32 $0x3FFFF, v9;
	v8 =	vcvt.s32.f32 v8;
	[tilespmem:v12+s21+$0x0] =	vst.idx.add.f32.msk $0xffff, v6  }
0xbd: {  	v63 =	vcvt.s32.f32 v9;
	v9 =	vand.u32 $0x3FFFF, v10;
	[tilespmem:v14+s21+$0x0] =	vst.idx.add.f32.msk $0xffff, v7  }
0xbe: {  	v10 =	vand.u32 $0x3FFFF, v11;
	v9 =	vcvt.s32.f32 v9;
	v6 =	vand.u32 $0x3FFFF, v13;
	[tilespmem:v16+s21+$0x0] =	vst.idx.add.f32.msk $0xffff, v8  }
0xbf: {  	s28 =	simm.s32 $0x1;
	s29 =	simm.s32 $0x1000;
	v6 =	vcvt.s32.f32 v6;
	v7 =	vand.u32 $0x3FFFF, v15;
	v8 =	vcvt.s32.f32 v10;
	[tilespmem:v17+s21+$0x0] =	vst.idx.add.f32.msk $0xffff, v63  }
.LBB2_9:
0xc0: {  	s0 =	sand.u32 $0x3000, s29;
	s30 =	sshll.u32 s28, $0x7;
	s31 =	sshll.u32 s28, $0x5;
	[tilespmem:v5+s21+$0x0] =	vst.idx.add.f32.msk $0xffff, v9  }
0xc1: {  	v5 =	vcvt.s32.f32 v7;
	s30 =	sand.u32 $0x7000, s30;
	s31 =	sand.u32 $0x380, s31;
	s0 =	sshrl.u32 s0, $0x2;
	[tilespmem:v3+s21+$0x0] =	vst.idx.add.f32.msk $0xffff, v8  }
0xc2: {  	p0 =	sne.s32 s28, $0xFF;
	s28 =	sadd.s32 $0x1, s28;
	s0 =	sor.u32 s0, s30;
	[tilespmem:v2+s21+$0x0] =	vst.idx.add.f32.msk $0xffff, v6  }
0xc3: {  	s0 =	sor.u32 s31, s0;
	[tilespmem:v4+s21+$0x0] =	vst.idx.add.f32.msk $0xffff, v5  }
0xc4: {  	v2 =	vld [tilespmem:s0+$0x10000]  }
0xc5: {  	v3 =	vld [tilespmem:s0+$0x10010]  }
0xc6: {  	v4 =	vld [tilespmem:s0+$0x10020]  }
0xc7: {  	v5 =	vld [tilespmem:s0+$0x10030]  }
0xc8: {  	v6 =	vld [tilespmem:s0+$0x10040]  }
0xc9: {  	v7 =	vld [tilespmem:s0+$0x10050];
	v8 =	vshrl.u32 v2, $0x12;
	v9 =	vand.u32 $0x3FFFF, v2  }
0xca: {  	v10 =	vld [tilespmem:s0+$0x10060];
	v11 =	vshrl.u32 v3, $0x12;
	v12 =	vand.u32 $0x3FFFF, v3  }
0xcb: {  	v13 =	vld [tilespmem:s0+$0x10070];
	v14 =	vshrl.u32 v4, $0x12;
	v15 =	vand.u32 $0x3FFFF, v4  }
0xcc: {  	v16 =	vshrl.u32 v5, $0x12;
	v17 =	vand.u32 $0x3FFFF, v5  }
0xcd: {  	v5 =	vshrl.u32 v6, $0x12;
	v18 =	vand.u32 $0x3FFFF, v6  }
0xce: {  	v3 =	vshrl.u32 v7, $0x12;
	v19 =	vand.u32 $0x3FFFF, v7;
	[tilespmem:v8+s20+$0x0] =	vst.idx.add.f32.msk $0xffff, v1  }
0xcf: {  	v2 =	vshrl.u32 v10, $0x12;
	v6 =	vand.u32 $0x3FFFF, v10;
	[tilespmem:v11+s20+$0x0] =	vst.idx.add.f32.msk $0xffff, v1  }
0xd0: {  	v4 =	vshrl.u32 v13, $0x12;
	v6 =	vcvt.s32.f32 v6;
	v7 =	vand.u32 $0x3FFFF, v13;
	[tilespmem:v14+s20+$0x0] =	vst.idx.add.f32.msk $0xffff, v1  }
0xd1: {  	[tilespmem:v16+s20+$0x0] =	vst.idx.add.f32.msk $0xffff, v1  }
0xd2: {  	[tilespmem:v5+s20+$0x0] =	vst.idx.add.f32.msk $0xffff, v1  }
0xd3: {  	[tilespmem:v3+s20+$0x0] =	vst.idx.add.f32.msk $0xffff, v1  }
0xd4: {  	v9 =	vcvt.s32.f32 v9;
	[tilespmem:v2+s20+$0x0] =	vst.idx.add.f32.msk $0xffff, v1  }
.Ltmp3:
0xd5: {  	v10 =	vcvt.s32.f32 v12;
	[tilespmem:v4+s20+$0x0] =	vst.idx.add.f32.msk $0xffff, v1;
	(pc) =	sbr.rel @p0 .LBB2_9-.Ltmp3, $4  }
0xd6: {  	v12 =	vcvt.s32.f32 v15;
	[tilespmem:v8+s21+$0x0] =	vst.idx.add.f32.msk $0xffff, v9  }
0xd7: {  	v13 =	vcvt.s32.f32 v17;
	[tilespmem:v11+s21+$0x0] =	vst.idx.add.f32.msk $0xffff, v10  }
0xd8: {  	v9 =	vcvt.s32.f32 v18;
	[tilespmem:v14+s21+$0x0] =	vst.idx.add.f32.msk $0xffff, v12  }
0xd9: {  	s29 =	sadd.s32 $0x1000, s29;
	v8 =	vcvt.s32.f32 v19;
	[tilespmem:v16+s21+$0x0] =	vst.idx.add.f32.msk $0xffff, v13  }
0xda: {  	_ =	sdelay $0x3  }
0xdb: {  	[tilespmem:v5+s21+$0x0] =	vst.idx.add.f32.msk $0xffff, v9;
	s0 =	sshll.u32 s26, $0x13;
	s25 =	sadd.s32 $0x1, s25  }
0xdc: {  	v63 =	vcvt.s32.f32 v7;
	[tilespmem:v3+s21+$0x0] =	vst.idx.add.f32.msk $0xffff, v8;
	s0 =	sor.u32 s6, s0;
	p0 =	sne.s32 s25, $0xA  }
.Ltmp4:
0xdd: {  	[tilespmem:v2+s21+$0x0] =	vst.idx.add.f32.msk $0xffff, v6;
	s0 =	sshrl.u32 s0, $0x3;
	(pc) =	sbr.rel @p0 .LBB2_2-.Ltmp4, $4  }
0xde: {  	[tilespmem:v4+s21+$0x0] =	vst.idx.add.f32.msk $0xffff, v63;
	s31 =	sadd.s32 s4, s0  }
0xdf: {  	[hbm4b:s31+s17] =	stream.strided.scatter [tilespmem:s20], [sflag:$0x4], $0x2000, s18, s17, $0x38;
	[tilespmem:$0x18000] =	vst v63  }
0xe0: {  	s0 =	sadd.s32 s0, s9  }
0xe1: {  	[hbm4b:s0+s17] =	stream.strided.scatter [tilespmem:s21], [sflag:$0x4], $0x2000, s18, s17, $0x38;
	[tilespmem:$0x18000] =	vst v63  }
0xe2: {  	_ =	swait.ge [sflag:s14], $0x8000  }
0xe3: {  	[sflag:s14] =	ssyncset.done $0x0  }
0xe4: {  	[sflag:s14] =	ssyncadd.s32 $0xFFFF8000  }
0xe5: {  	_ =	swait.ge [sflag:s22], $0x2000  }
0xe6: {  	[sflag:s22] =	ssyncset.done $0x0  }
0xe7: {  	[sflag:s22] =	ssyncadd.s32 $0xFFFFE000  }
0xe8: {  	_ =	swait.ge [sflag:s22], $0x2000  }
0xe9: {  	[sflag:s22] =	ssyncset.done $0x0  }
0xea: {  	s0 =	simm.s32 $0x40;
	[sflag:s22] =	ssyncadd.s32 $0xFFFFE000  }
0xeb: {  	s25 =	simm.s32 $0x4040;
	[tilespmem:s0+$0xFFFFFFC0] =	vst v0  }
0xec: {  	[tilespmem:s25+$0xFFFFFFC0] =	vst v0  }
0xed: {  	[tilespmem:s0+$0xFFFFFFD0] =	vst v0  }
0xee: {  	[tilespmem:s25+$0xFFFFFFD0] =	vst v0  }
0xef: {  	[tilespmem:s0+$0xFFFFFFE0] =	vst v0  }
0xf0: {  	[tilespmem:s25+$0xFFFFFFE0] =	vst v0  }
0xf1: {  	[tilespmem:s0+$0xFFFFFFF0] =	vst v0  }
0xf2: {  	[tilespmem:s25+$0xFFFFFFF0] =	vst v0  }
0xf3: {  	[tilespmem:s0+$0x0] =	vst v0  }
0xf4: {  	[tilespmem:s25+$0x0] =	vst v0  }
0xf5: {  	[tilespmem:s0+$0x10] =	vst v0  }
0xf6: {  	[tilespmem:s25+$0x10] =	vst v0  }
0xf7: {  	[tilespmem:s0+$0x20] =	vst v0  }
0xf8: {  	[tilespmem:s25+$0x20] =	vst v0  }
0xf9: {  	[tilespmem:s0+$0x30] =	vst v0  }
0xfa: {  	s26 =	simm.s32 $0x0;
	s28 =	simm.s32 $0xC0;
	[tilespmem:s25+$0x30] =	vst v0  }
.LBB2_12:
0xfb: {  	[tilespmem:s28+$0xFFFFFFC0] =	vst v0;
	s25 =	sadd.s32 $0x80, s25  }
0xfc: {  	[tilespmem:s25+$0xFFFFFFC0] =	vst v0  }
0xfd: {  	[tilespmem:s28+$0xFFFFFFD0] =	vst v0  }
0xfe: {  	[tilespmem:s25+$0xFFFFFFD0] =	vst v0  }
0xff: {  	[tilespmem:s28+$0xFFFFFFE0] =	vst v0  }
0x100: {  	[tilespmem:s25+$0xFFFFFFE0] =	vst v0  }
0x101: {  	[tilespmem:s28+$0xFFFFFFF0] =	vst v0  }
0x102: {  	[tilespmem:s25+$0xFFFFFFF0] =	vst v0  }
0x103: {  	[tilespmem:s28+$0x0] =	vst v0  }
0x104: {  	s26 =	sadd.s32 $0x8, s26;
	[tilespmem:s25+$0x0] =	vst v0  }
0x105: {  	p0 =	slt.u32 s26, $0x1F8;
	[tilespmem:s28+$0x10] =	vst v0  }
.Ltmp5:
0x106: {  	[tilespmem:s25+$0x10] =	vst v0;
	(pc) =	sbr.rel @p0 .LBB2_12-.Ltmp5, $4  }
0x107: {  	[tilespmem:s28+$0x20] =	vst v0  }
0x108: {  	[tilespmem:s25+$0x20] =	vst v0  }
0x109: {  	[tilespmem:s28+$0x30] =	vst v0  }
0x10a: {  	s29 =	simm.s32 $0x0;
	s28 =	sadd.s32 $0x80, s28;
	[tilespmem:s25+$0x30] =	vst v0  }
0x10b: {  	s0 =	sand.u32 $0x3000, s29;
	s25 =	simm.s32 $0x0  }
0x10c: {  	s26 =	simm.s32 $0x0;
	s25 =	sand.u32 $0x7000, s25;
	s0 =	sshrl.u32 s0, $0x2  }
0x10d: {  	s26 =	sand.u32 $0x380, s26;
	s0 =	sor.u32 s0, s25  }
0x10e: {  	s0 =	sor.u32 s26, s0  }
0x10f: {  	v6 =	vld [tilespmem:s0+$0x8000]  }
0x110: {  	v7 =	vld [tilespmem:s0+$0x8010]  }
0x111: {  	v8 =	vld [tilespmem:s0+$0x8020]  }
0x112: {  	v9 =	vld [tilespmem:s0+$0x8030]  }
0x113: {  	v10 =	vld [tilespmem:s0+$0x8040]  }
0x114: {  	v11 =	vld [tilespmem:s0+$0x8050];
	v12 =	vshrl.u32 v6, $0x12  }
0x115: {  	v13 =	vld [tilespmem:s0+$0x8060];
	v14 =	vshrl.u32 v7, $0x12  }
0x116: {  	v15 =	vld [tilespmem:s0+$0x8070];
	v16 =	vshrl.u32 v8, $0x12  }
0x117: {  	v17 =	vshrl.u32 v9, $0x12  }
0x118: {  	v5 =	vshrl.u32 v10, $0x12  }
0x119: {  	v2 =	vshrl.u32 v11, $0x12;
	[tilespmem:v12+s2+$0x0] =	vst.idx.add.f32.msk $0xffff, v1  }
0x11a: {  	v3 =	vshrl.u32 v13, $0x12;
	[tilespmem:v14+s2+$0x0] =	vst.idx.add.f32.msk $0xffff, v1  }
0x11b: {  	v4 =	vshrl.u32 v15, $0x12;
	[tilespmem:v16+s2+$0x0] =	vst.idx.add.f32.msk $0xffff, v1  }
0x11c: {  	[tilespmem:v17+s2+$0x0] =	vst.idx.add.f32.msk $0xffff, v1  }
0x11d: {  	[tilespmem:v5+s2+$0x0] =	vst.idx.add.f32.msk $0xffff, v1  }
0x11e: {  	v6 =	vand.u32 $0x3FFFF, v6;
	[tilespmem:v2+s2+$0x0] =	vst.idx.add.f32.msk $0xffff, v1  }
0x11f: {  	v7 =	vand.u32 $0x3FFFF, v7;
	v6 =	vcvt.s32.f32 v6;
	[tilespmem:v3+s2+$0x0] =	vst.idx.add.f32.msk $0xffff, v1  }
0x120: {  	v8 =	vand.u32 $0x3FFFF, v8;
	v7 =	vcvt.s32.f32 v7;
	[tilespmem:v4+s2+$0x0] =	vst.idx.add.f32.msk $0xffff, v1  }
0x121: {  	v9 =	vand.u32 $0x3FFFF, v9;
	v8 =	vcvt.s32.f32 v8;
	[tilespmem:v12+s16+$0x0] =	vst.idx.add.f32.msk $0xffff, v6  }
0x122: {  	v63 =	vcvt.s32.f32 v9;
	v9 =	vand.u32 $0x3FFFF, v10;
	[tilespmem:v14+s16+$0x0] =	vst.idx.add.f32.msk $0xffff, v7  }
0x123: {  	v10 =	vand.u32 $0x3FFFF, v11;
	v9 =	vcvt.s32.f32 v9;
	v6 =	vand.u32 $0x3FFFF, v13;
	[tilespmem:v16+s16+$0x0] =	vst.idx.add.f32.msk $0xffff, v8  }
0x124: {  	s25 =	simm.s32 $0x1;
	s26 =	simm.s32 $0x1000;
	v6 =	vcvt.s32.f32 v6;
	v7 =	vand.u32 $0x3FFFF, v15;
	v8 =	vcvt.s32.f32 v10;
	[tilespmem:v17+s16+$0x0] =	vst.idx.add.f32.msk $0xffff, v63  }
.LBB2_14:
0x125: {  	s0 =	sand.u32 $0x3000, s26;
	s28 =	sshll.u32 s25, $0x7;
	s29 =	sshll.u32 s25, $0x5;
	[tilespmem:v5+s16+$0x0] =	vst.idx.add.f32.msk $0xffff, v9  }
0x126: {  	v5 =	vcvt.s32.f32 v7;
	s28 =	sand.u32 $0x7000, s28;
	s29 =	sand.u32 $0x380, s29;
	s0 =	sshrl.u32 s0, $0x2;
	[tilespmem:v2+s16+$0x0] =	vst.idx.add.f32.msk $0xffff, v8  }
0x127: {  	p0 =	sne.s32 s25, $0xFF;
	s25 =	sadd.s32 $0x1, s25;
	s0 =	sor.u32 s0, s28;
	[tilespmem:v3+s16+$0x0] =	vst.idx.add.f32.msk $0xffff, v6  }
0x128: {  	s0 =	sor.u32 s29, s0;
	[tilespmem:v4+s16+$0x0] =	vst.idx.add.f32.msk $0xffff, v5  }
0x129: {  	v2 =	vld [tilespmem:s0+$0x8000]  }
0x12a: {  	v3 =	vld [tilespmem:s0+$0x8010]  }
0x12b: {  	v4 =	vld [tilespmem:s0+$0x8020]  }
0x12c: {  	v5 =	vld [tilespmem:s0+$0x8030]  }
0x12d: {  	v6 =	vld [tilespmem:s0+$0x8040]  }
0x12e: {  	v7 =	vld [tilespmem:s0+$0x8050];
	v8 =	vshrl.u32 v2, $0x12;
	v9 =	vand.u32 $0x3FFFF, v2  }
0x12f: {  	v10 =	vld [tilespmem:s0+$0x8060];
	v11 =	vshrl.u32 v3, $0x12;
	v12 =	vand.u32 $0x3FFFF, v3  }
0x130: {  	v13 =	vld [tilespmem:s0+$0x8070];
	v14 =	vshrl.u32 v4, $0x12;
	v15 =	vand.u32 $0x3FFFF, v4  }
0x131: {  	v16 =	vshrl.u32 v5, $0x12;
	v17 =	vand.u32 $0x3FFFF, v5  }
0x132: {  	v5 =	vshrl.u32 v6, $0x12;
	v18 =	vand.u32 $0x3FFFF, v6  }
0x133: {  	v2 =	vshrl.u32 v7, $0x12;
	v19 =	vand.u32 $0x3FFFF, v7;
	[tilespmem:v8+s2+$0x0] =	vst.idx.add.f32.msk $0xffff, v1  }
0x134: {  	v3 =	vshrl.u32 v10, $0x12;
	v6 =	vand.u32 $0x3FFFF, v10;
	[tilespmem:v11+s2+$0x0] =	vst.idx.add.f32.msk $0xffff, v1  }
0x135: {  	v4 =	vshrl.u32 v13, $0x12;
	v6 =	vcvt.s32.f32 v6;
	v7 =	vand.u32 $0x3FFFF, v13;
	[tilespmem:v14+s2+$0x0] =	vst.idx.add.f32.msk $0xffff, v1  }
0x136: {  	[tilespmem:v16+s2+$0x0] =	vst.idx.add.f32.msk $0xffff, v1  }
0x137: {  	[tilespmem:v5+s2+$0x0] =	vst.idx.add.f32.msk $0xffff, v1  }
0x138: {  	[tilespmem:v2+s2+$0x0] =	vst.idx.add.f32.msk $0xffff, v1  }
0x139: {  	v9 =	vcvt.s32.f32 v9;
	[tilespmem:v3+s2+$0x0] =	vst.idx.add.f32.msk $0xffff, v1  }
.Ltmp6:
0x13a: {  	v10 =	vcvt.s32.f32 v12;
	[tilespmem:v4+s2+$0x0] =	vst.idx.add.f32.msk $0xffff, v1;
	(pc) =	sbr.rel @p0 .LBB2_14-.Ltmp6, $4  }
0x13b: {  	v12 =	vcvt.s32.f32 v15;
	[tilespmem:v8+s16+$0x0] =	vst.idx.add.f32.msk $0xffff, v9  }
0x13c: {  	v13 =	vcvt.s32.f32 v17;
	[tilespmem:v11+s16+$0x0] =	vst.idx.add.f32.msk $0xffff, v10  }
0x13d: {  	v9 =	vcvt.s32.f32 v18;
	[tilespmem:v14+s16+$0x0] =	vst.idx.add.f32.msk $0xffff, v12  }
0x13e: {  	s26 =	sadd.s32 $0x1000, s26;
	v8 =	vcvt.s32.f32 v19;
	[tilespmem:v16+s16+$0x0] =	vst.idx.add.f32.msk $0xffff, v13  }
0x13f: {  	_ =	sdelay $0x3  }
0x140: {  	[tilespmem:v5+s16+$0x0] =	vst.idx.add.f32.msk $0xffff, v9  }
0x141: {  	v63 =	vcvt.s32.f32 v7;
	[tilespmem:v2+s16+$0x0] =	vst.idx.add.f32.msk $0xffff, v8  }
0x142: {  	[tilespmem:v3+s16+$0x0] =	vst.idx.add.f32.msk $0xffff, v6  }
0x143: {  	[tilespmem:v4+s16+$0x0] =	vst.idx.add.f32.msk $0xffff, v63  }
0x144: {  	[hbm4b:s10+s17] =	stream.strided.scatter [tilespmem:s2], [sflag:$0x3], $0x2000, s18, s17, $0x38;
	[tilespmem:$0x18000] =	vst v63  }
0x145: {  	_ = 	snop  }
0x146: {  	[hbm4b:s11+s17] =	stream.strided.scatter [tilespmem:s16], [sflag:$0x3], $0x2000, s18, s17, $0x38;
	[tilespmem:$0x18000] =	vst v63  }
0x147: {  	_ =	swait.ge [sflag:s22], $0x2000  }
0x148: {  	[sflag:s22] =	ssyncset.done $0x0  }
0x149: {  	[sflag:s22] =	ssyncadd.s32 $0xFFFFE000  }
0x14a: {  	_ =	swait.ge [sflag:s22], $0x2000  }
0x14b: {  	[sflag:s22] =	ssyncset.done $0x0  }
0x14c: {  	s24 =	sadd.s32 $0x1, s24;
	[sflag:s22] =	ssyncadd.s32 $0xFFFFE000  }
0x14d: {  	p0 =	sne.s32 s24, s12;
	_ =	swait.ge [sflag:s23], $0x2000  }
.Ltmp7:
0x14e: {  	[sflag:s23] =	ssyncset.done $0x0;
	(pc) =	sbr.rel @p0 .LBB2_1-.Ltmp7, $4  }
0x14f: {  	[sflag:s23] =	ssyncadd.s32 $0xFFFFE000  }
0x150: {  	_ =	swait.ge [sflag:s23], $0x2000  }
0x151: {  	[sflag:s23] =	ssyncset.done $0x0  }
0x152: {  	[sflag:s23] =	ssyncadd.s32 $0xFFFFE000  }
0x153: {  	_ =	sfence.sel $0x180000  }
0x154: {  	[bflag:$0x0] =	sbarrier.arrive $0xFFFF  }
0x155: {  	_ =	strace $0x90000047  }
0x156: {  	[bflag:$0x2] =	sbarrier.arrive $0xFFFF  }
0x157: {  	p0 =	sne.s32 s1, $0x0;
	s0 =	rddreg [dreg:$0x1]  }
0x158: {  	s0 =	sadd.s32 @!p0 $0x100000, s0  }
0x159: {  	[sflag:s0] =	ssyncadd.tile.s32 @!p0 $0x1;
	_ =	shalt  }
.Lfunc_end2:
_tile_overlayer_lowered:
.L_overlay_start_2:
0x15a: {  	(tag) =	ssettag $0x2  }
0x15b: {  	s0 =	rddreg [dreg:$0x0];
	s2 =	stileid.u32  }
0x15c: {  	s1 =	rddreg [dreg:$0x1];
	p0 =	sne.s32 s2, $0x0  }
0x15d: {  	s3 =	rddreg [dreg:$0x2];
	[bflag:$0x3] =	sbarrier.arrive $0xFFFF;
	s2 =	simm.s32 @!p0 $0x1C05  }
0x15e: {  	[timem:s3], [sflag:s2] =	dma.local @!p0 [hbm:s0], s1  }
0x15f: {  	s0 =	simm.s32 @!p0 $0x5  }
0x160: {  	_ =	swait.ge @!p0 [sflag:s0], s1  }
0x161: {  	s1 =	ssub.s32 @!p0 $0x0, s1;
	[sflag:s0] =	ssyncset.done @!p0 $0x0  }
0x162: {  	[sflag:s0] =	ssyncadd.s32 @!p0 s1  }
0x163: {  	[bflag:$0x3] =	sbarrier.arrive $0xFFFF  }
0x164: {  	_ =	shalt  }

</sc_bundles>
